<compile_context>
chip_gen: v7x
topology: tpu7x:2x2x1
jax: 0.10.2.dev20260603
libtpu: 0.0.44.dev20260713+nightly
codegen_flags: <defaults>
</compile_context>

<pallas_src>
import functools

import jax
import jax.numpy as jnp
from jax import lax
from jax.experimental import pallas as pl
from jax.experimental.pallas import tpu as pltpu
from jax.experimental.pallas import tpu_sc as plsc

B = 4096
F = 26
H = 20
VOCAB = 100000
EMB = 16
FEAT = F * EMB
NW = 32
BPW = B // NW
NB = 1
NCHUNK = BPW // NB
RPC = NB * F
IPC = RPC * H
GLEN = 104
GSTREAMS = IPC // GLEN

ROWS_PER_TILE = VOCAB // 16


def _add_tables_t(t0t, t1t):

    def body(a_ref, b_ref, o_ref):
        o_ref[...] = a_ref[...] + b_ref[...]

    return pl.pallas_call(
        body,
        grid=(1,),
        in_specs=[
            pl.BlockSpec((EMB, VOCAB), lambda i: (0, 0)),
            pl.BlockSpec((EMB, VOCAB), lambda i: (0, 0)),
        ],
        out_specs=pl.BlockSpec((EMB, VOCAB), lambda i: (0, 0)),
        out_shape=jax.ShapeDtypeStruct((EMB, VOCAB), jnp.float32),
    )(t0t, t1t)


def _make_emb_sum():
    mesh = plsc.VectorSubcoreMesh(core_axis_name="c", subcore_axis_name="s")

    @functools.partial(
        pl.kernel,
        mesh=mesh,
        compiler_params=pltpu.CompilerParams(use_tc_tiling_on_sc=False),
        out_type=jax.ShapeDtypeStruct((B, FEAT), jnp.float32),
        scratch_types=[
            pltpu.VMEM((IPC,), jnp.int32),
            pltpu.VMEM((IPC,), jnp.int32),
            pltpu.VMEM((IPC, EMB), jnp.float32),
            pltpu.VMEM((IPC, EMB), jnp.float32),
            pltpu.VMEM((NB, FEAT), jnp.float32),
            pltpu.VMEM((NB, FEAT), jnp.float32),
            pltpu.VMEM_SHARED((VOCAB, EMB), jnp.float32),
            pltpu.SemaphoreType.DMA,
            pltpu.SemaphoreType.DMA,
            pltpu.SemaphoreType.DMA,
            pltpu.SemaphoreType.DMA,
            pltpu.SemaphoreType.DMA,
            pltpu.SemaphoreType.DMA,
        ],
    )
    def emb_sum(tsum_hbm, idx_hbm, out_hbm, idx0, idx1,
                rows0, rows1, acc0, acc1, tsum_sh,
                gsem0, gsem1, isem0, isem1, osem0, osem1):
        wid = lax.axis_index("s") * 2 + lax.axis_index("c")
        tid = lax.axis_index("s")
        idx_b = (idx0, idx1)
        rows_b = (rows0, rows1)
        acc_b = (acc0, acc1)
        gsem_b = (gsem0, gsem1)
        isem_b = (isem0, isem1)
        osem_b = (osem0, osem1)

        def fire_idx(c, slot):
            base = (wid * BPW + c * NB) * (F * H)
            pltpu.async_copy(idx_hbm.at[pl.ds(base, IPC)], idx_b[slot],
                             isem_b[slot])

        def wait_idx(c, slot):
            base = (wid * BPW + c * NB) * (F * H)
            pltpu.make_async_copy(idx_hbm.at[pl.ds(base, IPC)], idx_b[slot],
                                  isem_b[slot]).wait()

        fire_idx(0, 0)
        fire_idx(1, 1)

        tbase = tid * ROWS_PER_TILE
        pltpu.sync_copy(tsum_hbm.at[pl.ds(tbase, ROWS_PER_TILE)],
                        tsum_sh.at[pl.ds(tbase, ROWS_PER_TILE)])
        plsc.subcore_barrier()


        def fire_gathers(slot):
            for j in range(GSTREAMS):
                pltpu.async_copy(
                    tsum_sh.at[idx_b[slot].at[pl.ds(j * GLEN, GLEN)]],
                    rows_b[slot].at[pl.ds(j * GLEN, GLEN)],
                    gsem_b[slot],
                )

        def wait_gathers(slot):
            for j in range(GSTREAMS):
                pltpu.make_async_copy(
                    tsum_sh.at[idx_b[slot].at[pl.ds(j * GLEN, GLEN)]],
                    rows_b[slot].at[pl.ds(j * GLEN, GLEN)],
                    gsem_b[slot],
                ).wait()

        def out_copy(c, slot):
            return pltpu.make_async_copy(
                acc_b[slot], out_hbm.at[pl.ds(wid * BPW + c * NB, NB)],
                osem_b[slot])

        def sum_chunk(slot):
            rows_v = rows_b[slot]
            acc_v = acc_b[slot]
            for bi in range(NB):

                def f_body(f2, c2, bi=bi):
                    for u in range(2):
                        f = f2 * 2 + u
                        base = (bi * F + f) * H
                        v = [rows_v[base + h, :] for h in range(H)]
                        while len(v) > 1:
                            v = ([v[i] + v[i + 1]
                                  for i in range(0, len(v) - 1, 2)]
                                 + ([v[-1]] if len(v) % 2 else []))
                        acc_v[bi, pl.ds(f * EMB, EMB)] = v[0]
                    return c2

                lax.fori_loop(0, F // 2, f_body, 0)

        def step(c, slot):
            other = 1 - slot
            wait_gathers(slot)

            @pl.when(c + 2 < NCHUNK)
            def _():
                fire_idx(c + 2, slot)

            @pl.when(c + 1 < NCHUNK)
            def _():
                wait_idx(c + 1, other)
                fire_gathers(other)

            @pl.when(c >= 2)
            def _():
                out_copy(c - 2, slot).wait()

            sum_chunk(slot)
            out_copy(c, slot).start()

        wait_idx(0, 0)
        fire_gathers(0)

        def pair_body(g, carry):
            step(2 * g, 0)
            step(2 * g + 1, 1)
            return carry

        lax.fori_loop(0, NCHUNK // 2, pair_body, 0)
        out_copy(NCHUNK - 2, 0).wait()
        out_copy(NCHUNK - 1, 1).wait()

    return emb_sum


_emb_sum = _make_emb_sum()


def _mlp(s, gamma, beta, W1, b1, W2, b2, W3, b3):
    BB = 512

    def body(s_ref, g_ref, be_ref, w1_ref, b1_ref, w2_ref, b2_ref,
             w3_ref, b3_ref, o_ref):
        sb = s_ref[...]
        mean = jnp.mean(sb, axis=-1, keepdims=True)
        var = jnp.mean((sb - mean) ** 2, axis=-1, keepdims=True)
        hn = (sb - mean) * lax.rsqrt(var + 1e-5) * g_ref[...] + be_ref[...]
        h1 = jnp.maximum(jnp.dot(hn, w1_ref[...]) + b1_ref[...], 0.0)
        h2 = jnp.maximum(jnp.dot(h1, w2_ref[...]) + b2_ref[...], 0.0)
        o_ref[...] = jax.nn.sigmoid(jnp.dot(h2, w3_ref[...]) + b3_ref[...])

    full = lambda shape: pl.BlockSpec(shape, lambda i: tuple(0 for _ in shape))
    return pl.pallas_call(
        body,
        grid=(B // BB,),
        in_specs=[
            pl.BlockSpec((BB, FEAT), lambda i: (i, 0)),
            full((1, FEAT)),
            full((1, FEAT)),
            full((FEAT, 1024)),
            full((1, 1024)),
            full((1024, 512)),
            full((1, 512)),
            full((512, 1)),
            full((1, 1)),
        ],
        out_specs=pl.BlockSpec((BB, 1), lambda i: (i, 0)),
        out_shape=jax.ShapeDtypeStruct((B, 1), jnp.float32),
    )(s, gamma.reshape(1, FEAT), beta.reshape(1, FEAT), W1,
      b1.reshape(1, 1024), W2, b2.reshape(1, 512), W3, b3.reshape(1, 1))


def kernel(x, table0, table1, gamma, beta, W1, b1, W2, b2, W3, b3):
    idx = x.astype(jnp.int32).reshape(-1)
    tsum = _add_tables_t(table0.T, table1.T).T
    s = _emb_sum(tsum, idx)
    return _mlp(s, gamma, beta, W1, b1, W2, b2, W3, b3)

# --- scband reference (transcript-rebuilt; emitter-appended) ---
"""Pipeline reference for scband-demo-module-60550448939428 (READ-ONLY COPY).

The authoritative reference and input builder live on the scoring server;
editing this copy changes nothing except your own understanding.
"""

import jax, jax.numpy as jnp
import numpy as np

B = 4096
N_FIELDS = 26
HIST = 20
VOCAB = 100000
EMB = 16
FEAT = N_FIELDS * EMB  # 416


def setup_inputs(seed: int = 0) -> dict:
    key = jax.random.key(seed)
    ks = jax.random.split(key, 12)
    x = jax.random.randint(ks[0], (B, N_FIELDS, HIST), 0, VOCAB, dtype=jnp.int64)
    table0 = jax.random.normal(ks[1], (VOCAB, EMB), dtype=jnp.float32) * 0.1  # NormalTensorInitializer(var=0.01)
    table1 = jax.random.normal(ks[2], (VOCAB, EMB), dtype=jnp.float32) * 0.1
    gamma = jnp.ones((FEAT,), dtype=jnp.float32)
    beta = jnp.zeros((FEAT,), dtype=jnp.float32)
    W1 = jax.random.normal(ks[3], (FEAT, 1024), dtype=jnp.float32) * (1.0 / np.sqrt(FEAT))
    b1 = jnp.zeros((1024,), dtype=jnp.float32)
    W2 = jax.random.normal(ks[4], (1024, 512), dtype=jnp.float32) * (1.0 / np.sqrt(1024))
    b2 = jnp.zeros((512,), dtype=jnp.float32)
    W3 = jax.random.normal(ks[5], (512, 1), dtype=jnp.float32) * (1.0 / np.sqrt(512))
    b3 = jnp.zeros((1,), dtype=jnp.float32)
    return {"x": x, "table0": table0, "table1": table1, "gamma": gamma, "beta": beta,
            "W1": W1, "b1": b1, "W2": W2, "b2": b2, "W3": W3, "b3": b3}


def _embedding_sum_concat(table, x):
    # EmbeddingSumConcat: per-field sum of embeddings over multi-hot indices, concat fields
    emb = jnp.take(table, x, axis=0)          # [B, F, H, E]
    summed = jnp.sum(emb, axis=2)             # [B, F, E]
    return summed.reshape(summed.shape[0], -1)  # [B, F*E]


def _normalization(h, gamma, beta, eps=1e-5):
    mean = jnp.mean(h, axis=-1, keepdims=True)
    var = jnp.var(h, axis=-1, keepdims=True)
    return (h - mean) / jnp.sqrt(var + eps) * gamma + beta


def reference(x, table0, table1, gamma, beta, W1, b1, W2, b2, W3, b3):
    x0 = _embedding_sum_concat(table0, x)  # wide
    x1 = _embedding_sum_concat(table1, x)  # deep
    s = x0 + x1
    h = _normalization(s, gamma, beta)
    h = jax.nn.relu(h @ W1 + b1)
    h = jax.nn.relu(h @ W2 + b2)
    out = jax.nn.sigmoid(h @ W3 + b3)
    return out

if __name__ == "__main__":
    import jax
    _d = setup_inputs()
    print(jax.jit(kernel)(*tuple(_d.values())))

</pallas_src>

<mosaic_0001>
#map = affine_map<(d0, d1) -> (0, 0)>
#map1 = affine_map<(d0, d1) -> (0)>
module attributes {stable_mosaic.version = 14 : i64} {
  func.func @emb_sum(%arg0: i32, %arg1: i32, %arg2: memref<100000x16xf32, #tpu.memory_space<hbm>>, %arg3: memref<2129920xi32, #tpu.memory_space<hbm>>, %arg4: memref<4096x416xf32, #tpu.memory_space<hbm>>, %arg5: memref<520xi32, #tpu.memory_space<vmem>>, %arg6: memref<520xi32, #tpu.memory_space<vmem>>, %arg7: memref<520x16xf32, #tpu.memory_space<vmem>>, %arg8: memref<520x16xf32, #tpu.memory_space<vmem>>, %arg9: memref<1x416xf32, #tpu.memory_space<vmem>>, %arg10: memref<1x416xf32, #tpu.memory_space<vmem>>, %arg11: memref<100000x16xf32, #tpu.memory_space<vmem_shared>>, %arg12: memref<!tpu.dma_semaphore, #tpu.memory_space<semaphore_mem>>, %arg13: memref<!tpu.dma_semaphore, #tpu.memory_space<semaphore_mem>>, %arg14: memref<!tpu.dma_semaphore, #tpu.memory_space<semaphore_mem>>, %arg15: memref<!tpu.dma_semaphore, #tpu.memory_space<semaphore_mem>>, %arg16: memref<!tpu.dma_semaphore, #tpu.memory_space<semaphore_mem>>, %arg17: memref<!tpu.dma_semaphore, #tpu.memory_space<semaphore_mem>>) attributes {dimension_semantics = [#tpu.dimension_semantics<core_parallel>, #tpu.dimension_semantics<subcore_parallel>], iteration_bounds = array<i64: 2, 16>, scalar_prefetch = 0 : i64, scratch_operands = 13 : i64, tpu.core_type = #tpu.core_type<sc_vector_subcore>, window_params = [{transform_indices = #map}, {transform_indices = #map1}, {transform_indices = #map}]} {
    %mul3A = arith.constant 2 : i32
    %mul3A_0 = arith.muli %arg1, %mul3A : i32
    %add3A = arith.addi %mul3A_0, %arg0 : i32
    %mul3A_1 = arith.constant 128 : i32
    %mul3A_2 = arith.muli %add3A, %mul3A_1 : i32
    %add3A_3 = arith.constant 0 : i32
    %add3A_4 = arith.addi %mul3A_2, %add3A_3 : i32
    %mul3A_5 = arith.constant 520 : i32
    %mul3A_6 = arith.muli %add3A_4, %mul3A_5 : i32
    %dma_start3A = tpu.memref_slice %arg3[%mul3A_6] : memref<2129920xi32, #tpu.memory_space<hbm>> -> memref<520xi32, #tpu.memory_space<hbm>>
    %dma_start3A_7 = tpu.memref_slice %arg3[%mul3A_6] : memref<2129920xi32, #tpu.memory_space<hbm>> -> memref<520xi32, #tpu.memory_space<hbm>>
    tpu.enqueue_dma source(%dma_start3A_7 : memref<520xi32, #tpu.memory_space<hbm>>) target(%arg5 : memref<520xi32, #tpu.memory_space<vmem>>) target_semaphore(%arg14 : memref<!tpu.dma_semaphore, #tpu.memory_space<semaphore_mem>>)
    %mul3A_8 = arith.constant 128 : i32
    %mul3A_9 = arith.muli %add3A, %mul3A_8 : i32
    %add3A_10 = arith.constant 1 : i32
    %add3A_11 = arith.addi %mul3A_9, %add3A_10 : i32
    %mul3A_12 = arith.constant 520 : i32
    %mul3A_13 = arith.muli %add3A_11, %mul3A_12 : i32
    %dma_start3A_14 = tpu.memref_slice %arg3[%mul3A_13] : memref<2129920xi32, #tpu.memory_space<hbm>> -> memref<520xi32, #tpu.memory_space<hbm>>
    %dma_start3A_15 = tpu.memref_slice %arg3[%mul3A_13] : memref<2129920xi32, #tpu.memory_space<hbm>> -> memref<520xi32, #tpu.memory_space<hbm>>
    tpu.enqueue_dma source(%dma_start3A_15 : memref<520xi32, #tpu.memory_space<hbm>>) target(%arg6 : memref<520xi32, #tpu.memory_space<vmem>>) target_semaphore(%arg15 : memref<!tpu.dma_semaphore, #tpu.memory_space<semaphore_mem>>)
    %mul3A_16 = arith.constant 6250 : i32
    %mul3A_17 = arith.muli %arg1, %mul3A_16 : i32
    "tpu.region"() ({
      %run_scoped3A = tpu.sem_alloc : memref<!tpu.dma_semaphore, #tpu.memory_space<semaphore_mem>>
      %dma_start3A_86 = arith.constant 0 : i32
      %dma_start3A_87 = tpu.memref_slice %arg11[%mul3A_17, %dma_start3A_86] : memref<100000x16xf32, #tpu.memory_space<vmem_shared>> -> memref<6250x16xf32, #tpu.memory_space<vmem_shared>>
      %dma_start3A_88 = arith.constant 0 : i32
      %dma_start3A_89 = tpu.memref_slice %arg2[%mul3A_17, %dma_start3A_88] : memref<100000x16xf32, #tpu.memory_space<hbm>> -> memref<6250x16xf32, #tpu.memory_space<hbm>>
      tpu.enqueue_dma source(%dma_start3A_89 : memref<6250x16xf32, #tpu.memory_space<hbm>>) target(%dma_start3A_87 : memref<6250x16xf32, #tpu.memory_space<vmem_shared>>) target_semaphore(%run_scoped3A : memref<!tpu.dma_semaphore, #tpu.memory_space<semaphore_mem>>)
      %dma_wait3A_90 = arith.constant 0 : i32
      %dma_wait3A_91 = tpu.memref_slice %arg11[%mul3A_17, %dma_wait3A_90] : memref<100000x16xf32, #tpu.memory_space<vmem_shared>> -> memref<6250x16xf32, #tpu.memory_space<vmem_shared>>
      %dma_wait3A_92 = arith.constant 0 : i32
      %dma_wait3A_93 = tpu.memref_slice %arg2[%mul3A_17, %dma_wait3A_92] : memref<100000x16xf32, #tpu.memory_space<hbm>> -> memref<6250x16xf32, #tpu.memory_space<hbm>>
      tpu.wait_dma2 semaphore(%run_scoped3A : memref<!tpu.dma_semaphore, #tpu.memory_space<semaphore_mem>>) src(%dma_wait3A_93 : memref<6250x16xf32, #tpu.memory_space<hbm>>) dst(%dma_wait3A_91 : memref<6250x16xf32, #tpu.memory_space<vmem_shared>>)
      tpu.yield
    }) : () -> ()
    %barrier3A = arith.constant 0 : index
    tpu.barrier barrier_id(%barrier3A)
    %mul3A_18 = arith.constant 128 : i32
    %mul3A_19 = arith.muli %add3A, %mul3A_18 : i32
    %add3A_20 = arith.constant 0 : i32
    %add3A_21 = arith.addi %mul3A_19, %add3A_20 : i32
    %mul3A_22 = arith.constant 520 : i32
    %mul3A_23 = arith.muli %add3A_21, %mul3A_22 : i32
    %dma_wait3A = tpu.memref_slice %arg3[%mul3A_23] : memref<2129920xi32, #tpu.memory_space<hbm>> -> memref<520xi32, #tpu.memory_space<hbm>>
    %dma_wait3A_24 = tpu.memref_slice %arg3[%mul3A_23] : memref<2129920xi32, #tpu.memory_space<hbm>> -> memref<520xi32, #tpu.memory_space<hbm>>
    tpu.wait_dma2 semaphore(%arg14 : memref<!tpu.dma_semaphore, #tpu.memory_space<semaphore_mem>>) src(%dma_wait3A_24 : memref<520xi32, #tpu.memory_space<hbm>>) dst(%arg5 : memref<520xi32, #tpu.memory_space<vmem>>)
    %dma_start3A_25 = arith.constant 0 : i32
    %dma_start3A_26 = arith.constant 0 : i32
    %dma_start3A_27 = tpu.memref_slice %arg7[%dma_start3A_25, %dma_start3A_26] : memref<520x16xf32, #tpu.memory_space<vmem>> -> memref<104x16xf32, #tpu.memory_space<vmem>>
    %dma_start3A_28 = arith.constant 0 : i32
    %dma_start3A_29 = tpu.memref_slice %arg5[%dma_start3A_28] : memref<520xi32, #tpu.memory_space<vmem>> -> memref<104xi32, #tpu.memory_space<vmem>>
    %dma_start3A_30 = arith.constant 0 : i32
    %dma_start3A_31 = arith.constant 0 : i32
    %dma_start3A_32 = tpu.memref_slice %arg11[%dma_start3A_30, %dma_start3A_31] : memref<100000x16xf32, #tpu.memory_space<vmem_shared>> -> memref<100000x16xf32, #tpu.memory_space<vmem_shared>>
    tpu.enqueue_indirect_dma source(%dma_start3A_32 : memref<100000x16xf32, #tpu.memory_space<vmem_shared>>) target(%dma_start3A_27 : memref<104x16xf32, #tpu.memory_space<vmem>>) offsets(%dma_start3A_29 : memref<104xi32, #tpu.memory_space<vmem>>) semaphore(%arg12 : memref<!tpu.dma_semaphore, #tpu.memory_space<semaphore_mem>>)
    %dma_start3A_33 = arith.constant 104 : i32
    %dma_start3A_34 = arith.constant 0 : i32
    %dma_start3A_35 = tpu.memref_slice %arg7[%dma_start3A_33, %dma_start3A_34] : memref<520x16xf32, #tpu.memory_space<vmem>> -> memref<104x16xf32, #tpu.memory_space<vmem>>
    %dma_start3A_36 = arith.constant 104 : i32
    %dma_start3A_37 = tpu.memref_slice %arg5[%dma_start3A_36] : memref<520xi32, #tpu.memory_space<vmem>> -> memref<104xi32, #tpu.memory_space<vmem>>
    %dma_start3A_38 = arith.constant 0 : i32
    %dma_start3A_39 = arith.constant 0 : i32
    %dma_start3A_40 = tpu.memref_slice %arg11[%dma_start3A_38, %dma_start3A_39] : memref<100000x16xf32, #tpu.memory_space<vmem_shared>> -> memref<100000x16xf32, #tpu.memory_space<vmem_shared>>
    tpu.enqueue_indirect_dma source(%dma_start3A_40 : memref<100000x16xf32, #tpu.memory_space<vmem_shared>>) target(%dma_start3A_35 : memref<104x16xf32, #tpu.memory_space<vmem>>) offsets(%dma_start3A_37 : memref<104xi32, #tpu.memory_space<vmem>>) semaphore(%arg12 : memref<!tpu.dma_semaphore, #tpu.memory_space<semaphore_mem>>)
    %dma_start3A_41 = arith.constant 208 : i32
    %dma_start3A_42 = arith.constant 0 : i32
    %dma_start3A_43 = tpu.memref_slice %arg7[%dma_start3A_41, %dma_start3A_42] : memref<520x16xf32, #tpu.memory_space<vmem>> -> memref<104x16xf32, #tpu.memory_space<vmem>>
    %dma_start3A_44 = arith.constant 208 : i32
    %dma_start3A_45 = tpu.memref_slice %arg5[%dma_start3A_44] : memref<520xi32, #tpu.memory_space<vmem>> -> memref<104xi32, #tpu.memory_space<vmem>>
    %dma_start3A_46 = arith.constant 0 : i32
    %dma_start3A_47 = arith.constant 0 : i32
    %dma_start3A_48 = tpu.memref_slice %arg11[%dma_start3A_46, %dma_start3A_47] : memref<100000x16xf32, #tpu.memory_space<vmem_shared>> -> memref<100000x16xf32, #tpu.memory_space<vmem_shared>>
    tpu.enqueue_indirect_dma source(%dma_start3A_48 : memref<100000x16xf32, #tpu.memory_space<vmem_shared>>) target(%dma_start3A_43 : memref<104x16xf32, #tpu.memory_space<vmem>>) offsets(%dma_start3A_45 : memref<104xi32, #tpu.memory_space<vmem>>) semaphore(%arg12 : memref<!tpu.dma_semaphore, #tpu.memory_space<semaphore_mem>>)
    %dma_start3A_49 = arith.constant 312 : i32
    %dma_start3A_50 = arith.constant 0 : i32
    %dma_start3A_51 = tpu.memref_slice %arg7[%dma_start3A_49, %dma_start3A_50] : memref<520x16xf32, #tpu.memory_space<vmem>> -> memref<104x16xf32, #tpu.memory_space<vmem>>
    %dma_start3A_52 = arith.constant 312 : i32
    %dma_start3A_53 = tpu.memref_slice %arg5[%dma_start3A_52] : memref<520xi32, #tpu.memory_space<vmem>> -> memref<104xi32, #tpu.memory_space<vmem>>
    %dma_start3A_54 = arith.constant 0 : i32
    %dma_start3A_55 = arith.constant 0 : i32
    %dma_start3A_56 = tpu.memref_slice %arg11[%dma_start3A_54, %dma_start3A_55] : memref<100000x16xf32, #tpu.memory_space<vmem_shared>> -> memref<100000x16xf32, #tpu.memory_space<vmem_shared>>
    tpu.enqueue_indirect_dma source(%dma_start3A_56 : memref<100000x16xf32, #tpu.memory_space<vmem_shared>>) target(%dma_start3A_51 : memref<104x16xf32, #tpu.memory_space<vmem>>) offsets(%dma_start3A_53 : memref<104xi32, #tpu.memory_space<vmem>>) semaphore(%arg12 : memref<!tpu.dma_semaphore, #tpu.memory_space<semaphore_mem>>)
    %dma_start3A_57 = arith.constant 416 : i32
    %dma_start3A_58 = arith.constant 0 : i32
    %dma_start3A_59 = tpu.memref_slice %arg7[%dma_start3A_57, %dma_start3A_58] : memref<520x16xf32, #tpu.memory_space<vmem>> -> memref<104x16xf32, #tpu.memory_space<vmem>>
    %dma_start3A_60 = arith.constant 416 : i32
    %dma_start3A_61 = tpu.memref_slice %arg5[%dma_start3A_60] : memref<520xi32, #tpu.memory_space<vmem>> -> memref<104xi32, #tpu.memory_space<vmem>>
    %dma_start3A_62 = arith.constant 0 : i32
    %dma_start3A_63 = arith.constant 0 : i32
    %dma_start3A_64 = tpu.memref_slice %arg11[%dma_start3A_62, %dma_start3A_63] : memref<100000x16xf32, #tpu.memory_space<vmem_shared>> -> memref<100000x16xf32, #tpu.memory_space<vmem_shared>>
    tpu.enqueue_indirect_dma source(%dma_start3A_64 : memref<100000x16xf32, #tpu.memory_space<vmem_shared>>) target(%dma_start3A_59 : memref<104x16xf32, #tpu.memory_space<vmem>>) offsets(%dma_start3A_61 : memref<104xi32, #tpu.memory_space<vmem>>) semaphore(%arg12 : memref<!tpu.dma_semaphore, #tpu.memory_space<semaphore_mem>>)
    %scan3A = arith.constant 0 : i32
    %scan3A_65 = arith.constant 0 : i32
    %scan3A_66 = arith.constant 64 : i32
    %scan3A_67 = arith.addi %scan3A_65, %scan3A_66 : i32
    %scan3A_68 = arith.constant 1 : i32
    scf.for %scan3A_86 = %scan3A_65 to %scan3A_67 step %scan3A_68  : i32 {
      %mul3A_87 = arith.constant 2 : i32
      %mul3A_88 = arith.muli %mul3A_87, %scan3A_86 : i32
      %dma_wait3A_89 = arith.constant 0 : i32
      %dma_wait3A_90 = arith.constant 0 : i32
      %dma_wait3A_91 = tpu.memref_slice %arg7[%dma_wait3A_89, %dma_wait3A_90] : memref<520x16xf32, #tpu.memory_space<vmem>> -> memref<104x16xf32, #tpu.memory_space<vmem>>
      %dma_wait3A_92 = arith.constant 0 : i32
      %dma_wait3A_93 = tpu.memref_slice %arg5[%dma_wait3A_92] : memref<520xi32, #tpu.memory_space<vmem>> -> memref<104xi32, #tpu.memory_space<vmem>>
      %dma_wait3A_94 = arith.constant 0 : i32
      %dma_wait3A_95 = arith.constant 0 : i32
      %dma_wait3A_96 = tpu.memref_slice %arg11[%dma_wait3A_94, %dma_wait3A_95] : memref<100000x16xf32, #tpu.memory_space<vmem_shared>> -> memref<100000x16xf32, #tpu.memory_space<vmem_shared>>
      tpu.wait_indirect_dma semaphore(%arg12 : memref<!tpu.dma_semaphore, #tpu.memory_space<semaphore_mem>>) src(%dma_wait3A_96 : memref<100000x16xf32, #tpu.memory_space<vmem_shared>>) dst(%dma_wait3A_91 : memref<104x16xf32, #tpu.memory_space<vmem>>)
      %dma_wait3A_97 = arith.constant 104 : i32
      %dma_wait3A_98 = arith.constant 0 : i32
      %dma_wait3A_99 = tpu.memref_slice %arg7[%dma_wait3A_97, %dma_wait3A_98] : memref<520x16xf32, #tpu.memory_space<vmem>> -> memref<104x16xf32, #tpu.memory_space<vmem>>
      %dma_wait3A_100 = arith.constant 104 : i32
      %dma_wait3A_101 = tpu.memref_slice %arg5[%dma_wait3A_100] : memref<520xi32, #tpu.memory_space<vmem>> -> memref<104xi32, #tpu.memory_space<vmem>>
      %dma_wait3A_102 = arith.constant 0 : i32
      %dma_wait3A_103 = arith.constant 0 : i32
      %dma_wait3A_104 = tpu.memref_slice %arg11[%dma_wait3A_102, %dma_wait3A_103] : memref<100000x16xf32, #tpu.memory_space<vmem_shared>> -> memref<100000x16xf32, #tpu.memory_space<vmem_shared>>
      tpu.wait_indirect_dma semaphore(%arg12 : memref<!tpu.dma_semaphore, #tpu.memory_space<semaphore_mem>>) src(%dma_wait3A_104 : memref<100000x16xf32, #tpu.memory_space<vmem_shared>>) dst(%dma_wait3A_99 : memref<104x16xf32, #tpu.memory_space<vmem>>)
      %dma_wait3A_105 = arith.constant 208 : i32
      %dma_wait3A_106 = arith.constant 0 : i32
      %dma_wait3A_107 = tpu.memref_slice %arg7[%dma_wait3A_105, %dma_wait3A_106] : memref<520x16xf32, #tpu.memory_space<vmem>> -> memref<104x16xf32, #tpu.memory_space<vmem>>
      %dma_wait3A_108 = arith.constant 208 : i32
      %dma_wait3A_109 = tpu.memref_slice %arg5[%dma_wait3A_108] : memref<520xi32, #tpu.memory_space<vmem>> -> memref<104xi32, #tpu.memory_space<vmem>>
      %dma_wait3A_110 = arith.constant 0 : i32
      %dma_wait3A_111 = arith.constant 0 : i32
      %dma_wait3A_112 = tpu.memref_slice %arg11[%dma_wait3A_110, %dma_wait3A_111] : memref<100000x16xf32, #tpu.memory_space<vmem_shared>> -> memref<100000x16xf32, #tpu.memory_space<vmem_shared>>
      tpu.wait_indirect_dma semaphore(%arg12 : memref<!tpu.dma_semaphore, #tpu.memory_space<semaphore_mem>>) src(%dma_wait3A_112 : memref<100000x16xf32, #tpu.memory_space<vmem_shared>>) dst(%dma_wait3A_107 : memref<104x16xf32, #tpu.memory_space<vmem>>)
      %dma_wait3A_113 = arith.constant 312 : i32
      %dma_wait3A_114 = arith.constant 0 : i32
      %dma_wait3A_115 = tpu.memref_slice %arg7[%dma_wait3A_113, %dma_wait3A_114] : memref<520x16xf32, #tpu.memory_space<vmem>> -> memref<104x16xf32, #tpu.memory_space<vmem>>
      %dma_wait3A_116 = arith.constant 312 : i32
      %dma_wait3A_117 = tpu.memref_slice %arg5[%dma_wait3A_116] : memref<520xi32, #tpu.memory_space<vmem>> -> memref<104xi32, #tpu.memory_space<vmem>>
      %dma_wait3A_118 = arith.constant 0 : i32
      %dma_wait3A_119 = arith.constant 0 : i32
      %dma_wait3A_120 = tpu.memref_slice %arg11[%dma_wait3A_118, %dma_wait3A_119] : memref<100000x16xf32, #tpu.memory_space<vmem_shared>> -> memref<100000x16xf32, #tpu.memory_space<vmem_shared>>
      tpu.wait_indirect_dma semaphore(%arg12 : memref<!tpu.dma_semaphore, #tpu.memory_space<semaphore_mem>>) src(%dma_wait3A_120 : memref<100000x16xf32, #tpu.memory_space<vmem_shared>>) dst(%dma_wait3A_115 : memref<104x16xf32, #tpu.memory_space<vmem>>)
      %dma_wait3A_121 = arith.constant 416 : i32
      %dma_wait3A_122 = arith.constant 0 : i32
      %dma_wait3A_123 = tpu.memref_slice %arg7[%dma_wait3A_121, %dma_wait3A_122] : memref<520x16xf32, #tpu.memory_space<vmem>> -> memref<104x16xf32, #tpu.memory_space<vmem>>
      %dma_wait3A_124 = arith.constant 416 : i32
      %dma_wait3A_125 = tpu.memref_slice %arg5[%dma_wait3A_124] : memref<520xi32, #tpu.memory_space<vmem>> -> memref<104xi32, #tpu.memory_space<vmem>>
      %dma_wait3A_126 = arith.constant 0 : i32
      %dma_wait3A_127 = arith.constant 0 : i32
      %dma_wait3A_128 = tpu.memref_slice %arg11[%dma_wait3A_126, %dma_wait3A_127] : memref<100000x16xf32, #tpu.memory_space<vmem_shared>> -> memref<100000x16xf32, #tpu.memory_space<vmem_shared>>
      tpu.wait_indirect_dma semaphore(%arg12 : memref<!tpu.dma_semaphore, #tpu.memory_space<semaphore_mem>>) src(%dma_wait3A_128 : memref<100000x16xf32, #tpu.memory_space<vmem_shared>>) dst(%dma_wait3A_123 : memref<104x16xf32, #tpu.memory_space<vmem>>)
      %add3A_129 = arith.constant 2 : i32
      %add3A_130 = arith.addi %mul3A_88, %add3A_129 : i32
      %lt3A = arith.constant 128 : i32
      %lt3A_131 = arith.cmpi slt, %add3A_130, %lt3A : i32
      %convert_element_type3A = arith.extui %lt3A_131 : i1 to i32
      %cond3A = arith.constant 0 : i32
      %cond3A_132 = arith.cmpi ne, %convert_element_type3A, %cond3A : i32
      scf.if %cond3A_132 {
        %add3A_237 = arith.constant 2 : i32
        %add3A_238 = arith.addi %mul3A_88, %add3A_237 : i32
        %mul3A_239 = arith.constant 128 : i32
        %mul3A_240 = arith.muli %add3A, %mul3A_239 : i32
        %mul3A_241 = arith.constant 1 : i32
        %mul3A_242 = arith.muli %add3A_238, %mul3A_241 : i32
        %add3A_243 = arith.addi %mul3A_240, %mul3A_242 : i32
        %mul3A_244 = arith.constant 520 : i32
        %mul3A_245 = arith.muli %add3A_243, %mul3A_244 : i32
        %dma_start3A_246 = tpu.memref_slice %arg3[%mul3A_245] : memref<2129920xi32, #tpu.memory_space<hbm>> -> memref<520xi32, #tpu.memory_space<hbm>>
        %dma_start3A_247 = tpu.memref_slice %arg3[%mul3A_245] : memref<2129920xi32, #tpu.memory_space<hbm>> -> memref<520xi32, #tpu.memory_space<hbm>>
        tpu.enqueue_dma source(%dma_start3A_247 : memref<520xi32, #tpu.memory_space<hbm>>) target(%arg5 : memref<520xi32, #tpu.memory_space<vmem>>) target_semaphore(%arg14 : memref<!tpu.dma_semaphore, #tpu.memory_space<semaphore_mem>>)
      } else {
      }
      %add3A_133 = arith.constant 1 : i32
      %add3A_134 = arith.addi %mul3A_88, %add3A_133 : i32
      %lt3A_135 = arith.constant 128 : i32
      %lt3A_136 = arith.cmpi slt, %add3A_134, %lt3A_135 : i32
      %convert_element_type3A_137 = arith.extui %lt3A_136 : i1 to i32
      %cond3A_138 = arith.constant 0 : i32
      %cond3A_139 = arith.cmpi ne, %convert_element_type3A_137, %cond3A_138 : i32
      scf.if %cond3A_139 {
        %add3A_237 = arith.constant 1 : i32
        %add3A_238 = arith.addi %mul3A_88, %add3A_237 : i32
        %mul3A_239 = arith.constant 128 : i32
        %mul3A_240 = arith.muli %add3A, %mul3A_239 : i32
        %mul3A_241 = arith.constant 1 : i32
        %mul3A_242 = arith.muli %add3A_238, %mul3A_241 : i32
        %add3A_243 = arith.addi %mul3A_240, %mul3A_242 : i32
        %mul3A_244 = arith.constant 520 : i32
        %mul3A_245 = arith.muli %add3A_243, %mul3A_244 : i32
        %dma_wait3A_246 = tpu.memref_slice %arg3[%mul3A_245] : memref<2129920xi32, #tpu.memory_space<hbm>> -> memref<520xi32, #tpu.memory_space<hbm>>
        %dma_wait3A_247 = tpu.memref_slice %arg3[%mul3A_245] : memref<2129920xi32, #tpu.memory_space<hbm>> -> memref<520xi32, #tpu.memory_space<hbm>>
        tpu.wait_dma2 semaphore(%arg15 : memref<!tpu.dma_semaphore, #tpu.memory_space<semaphore_mem>>) src(%dma_wait3A_247 : memref<520xi32, #tpu.memory_space<hbm>>) dst(%arg6 : memref<520xi32, #tpu.memory_space<vmem>>)
        %dma_start3A_248 = arith.constant 0 : i32
        %dma_start3A_249 = arith.constant 0 : i32
        %dma_start3A_250 = tpu.memref_slice %arg8[%dma_start3A_248, %dma_start3A_249] : memref<520x16xf32, #tpu.memory_space<vmem>> -> memref<104x16xf32, #tpu.memory_space<vmem>>
        %dma_start3A_251 = arith.constant 0 : i32
        %dma_start3A_252 = tpu.memref_slice %arg6[%dma_start3A_251] : memref<520xi32, #tpu.memory_space<vmem>> -> memref<104xi32, #tpu.memory_space<vmem>>
        %dma_start3A_253 = arith.constant 0 : i32
        %dma_start3A_254 = arith.constant 0 : i32
        %dma_start3A_255 = tpu.memref_slice %arg11[%dma_start3A_253, %dma_start3A_254] : memref<100000x16xf32, #tpu.memory_space<vmem_shared>> -> memref<100000x16xf32, #tpu.memory_space<vmem_shared>>
        tpu.enqueue_indirect_dma source(%dma_start3A_255 : memref<100000x16xf32, #tpu.memory_space<vmem_shared>>) target(%dma_start3A_250 : memref<104x16xf32, #tpu.memory_space<vmem>>) offsets(%dma_start3A_252 : memref<104xi32, #tpu.memory_space<vmem>>) semaphore(%arg13 : memref<!tpu.dma_semaphore, #tpu.memory_space<semaphore_mem>>)
        %dma_start3A_256 = arith.constant 104 : i32
        %dma_start3A_257 = arith.constant 0 : i32
        %dma_start3A_258 = tpu.memref_slice %arg8[%dma_start3A_256, %dma_start3A_257] : memref<520x16xf32, #tpu.memory_space<vmem>> -> memref<104x16xf32, #tpu.memory_space<vmem>>
        %dma_start3A_259 = arith.constant 104 : i32
        %dma_start3A_260 = tpu.memref_slice %arg6[%dma_start3A_259] : memref<520xi32, #tpu.memory_space<vmem>> -> memref<104xi32, #tpu.memory_space<vmem>>
        %dma_start3A_261 = arith.constant 0 : i32
        %dma_start3A_262 = arith.constant 0 : i32
        %dma_start3A_263 = tpu.memref_slice %arg11[%dma_start3A_261, %dma_start3A_262] : memref<100000x16xf32, #tpu.memory_space<vmem_shared>> -> memref<100000x16xf32, #tpu.memory_space<vmem_shared>>
        tpu.enqueue_indirect_dma source(%dma_start3A_263 : memref<100000x16xf32, #tpu.memory_space<vmem_shared>>) target(%dma_start3A_258 : memref<104x16xf32, #tpu.memory_space<vmem>>) offsets(%dma_start3A_260 : memref<104xi32, #tpu.memory_space<vmem>>) semaphore(%arg13 : memref<!tpu.dma_semaphore, #tpu.memory_space<semaphore_mem>>)
        %dma_start3A_264 = arith.constant 208 : i32
        %dma_start3A_265 = arith.constant 0 : i32
        %dma_start3A_266 = tpu.memref_slice %arg8[%dma_start3A_264, %dma_start3A_265] : memref<520x16xf32, #tpu.memory_space<vmem>> -> memref<104x16xf32, #tpu.memory_space<vmem>>
        %dma_start3A_267 = arith.constant 208 : i32
        %dma_start3A_268 = tpu.memref_slice %arg6[%dma_start3A_267] : memref<520xi32, #tpu.memory_space<vmem>> -> memref<104xi32, #tpu.memory_space<vmem>>
        %dma_start3A_269 = arith.constant 0 : i32
        %dma_start3A_270 = arith.constant 0 : i32
        %dma_start3A_271 = tpu.memref_slice %arg11[%dma_start3A_269, %dma_start3A_270] : memref<100000x16xf32, #tpu.memory_space<vmem_shared>> -> memref<100000x16xf32, #tpu.memory_space<vmem_shared>>
        tpu.enqueue_indirect_dma source(%dma_start3A_271 : memref<100000x16xf32, #tpu.memory_space<vmem_shared>>) target(%dma_start3A_266 : memref<104x16xf32, #tpu.memory_space<vmem>>) offsets(%dma_start3A_268 : memref<104xi32, #tpu.memory_space<vmem>>) semaphore(%arg13 : memref<!tpu.dma_semaphore, #tpu.memory_space<semaphore_mem>>)
        %dma_start3A_272 = arith.constant 312 : i32
        %dma_start3A_273 = arith.constant 0 : i32
        %dma_start3A_274 = tpu.memref_slice %arg8[%dma_start3A_272, %dma_start3A_273] : memref<520x16xf32, #tpu.memory_space<vmem>> -> memref<104x16xf32, #tpu.memory_space<vmem>>
        %dma_start3A_275 = arith.constant 312 : i32
        %dma_start3A_276 = tpu.memref_slice %arg6[%dma_start3A_275] : memref<520xi32, #tpu.memory_space<vmem>> -> memref<104xi32, #tpu.memory_space<vmem>>
        %dma_start3A_277 = arith.constant 0 : i32
        %dma_start3A_278 = arith.constant 0 : i32
        %dma_start3A_279 = tpu.memref_slice %arg11[%dma_start3A_277, %dma_start3A_278] : memref<100000x16xf32, #tpu.memory_space<vmem_shared>> -> memref<100000x16xf32, #tpu.memory_space<vmem_shared>>
        tpu.enqueue_indirect_dma source(%dma_start3A_279 : memref<100000x16xf32, #tpu.memory_space<vmem_shared>>) target(%dma_start3A_274 : memref<104x16xf32, #tpu.memory_space<vmem>>) offsets(%dma_start3A_276 : memref<104xi32, #tpu.memory_space<vmem>>) semaphore(%arg13 : memref<!tpu.dma_semaphore, #tpu.memory_space<semaphore_mem>>)
        %dma_start3A_280 = arith.constant 416 : i32
        %dma_start3A_281 = arith.constant 0 : i32
        %dma_start3A_282 = tpu.memref_slice %arg8[%dma_start3A_280, %dma_start3A_281] : memref<520x16xf32, #tpu.memory_space<vmem>> -> memref<104x16xf32, #tpu.memory_space<vmem>>
        %dma_start3A_283 = arith.constant 416 : i32
        %dma_start3A_284 = tpu.memref_slice %arg6[%dma_start3A_283] : memref<520xi32, #tpu.memory_space<vmem>> -> memref<104xi32, #tpu.memory_space<vmem>>
        %dma_start3A_285 = arith.constant 0 : i32
        %dma_start3A_286 = arith.constant 0 : i32
        %dma_start3A_287 = tpu.memref_slice %arg11[%dma_start3A_285, %dma_start3A_286] : memref<100000x16xf32, #tpu.memory_space<vmem_shared>> -> memref<100000x16xf32, #tpu.memory_space<vmem_shared>>
        tpu.enqueue_indirect_dma source(%dma_start3A_287 : memref<100000x16xf32, #tpu.memory_space<vmem_shared>>) target(%dma_start3A_282 : memref<104x16xf32, #tpu.memory_space<vmem>>) offsets(%dma_start3A_284 : memref<104xi32, #tpu.memory_space<vmem>>) semaphore(%arg13 : memref<!tpu.dma_semaphore, #tpu.memory_space<semaphore_mem>>)
      } else {
      }
      %ge3A = arith.constant 2 : i32
      %ge3A_140 = arith.cmpi sge, %mul3A_88, %ge3A : i32
      %convert_element_type3A_141 = arith.extui %ge3A_140 : i1 to i32
      %cond3A_142 = arith.constant 0 : i32
      %cond3A_143 = arith.cmpi ne, %convert_element_type3A_141, %cond3A_142 : i32
      scf.if %cond3A_143 {
        %sub3A = arith.constant 2 : i32
        %sub3A_237 = arith.subi %mul3A_88, %sub3A : i32
        %mul3A_238 = arith.constant 128 : i32
        %mul3A_239 = arith.muli %add3A, %mul3A_238 : i32
        %mul3A_240 = arith.constant 1 : i32
        %mul3A_241 = arith.muli %sub3A_237, %mul3A_240 : i32
        %add3A_242 = arith.addi %mul3A_239, %mul3A_241 : i32
        %dma_wait3A_243 = arith.constant 0 : i32
        %dma_wait3A_244 = tpu.memref_slice %arg4[%add3A_242, %dma_wait3A_243] : memref<4096x416xf32, #tpu.memory_space<hbm>> -> memref<1x416xf32, #tpu.memory_space<hbm>>
        %dma_wait3A_245 = arith.constant 0 : i32
        %dma_wait3A_246 = tpu.memref_slice %arg4[%add3A_242, %dma_wait3A_245] : memref<4096x416xf32, #tpu.memory_space<hbm>> -> memref<1x416xf32, #tpu.memory_space<hbm>>
        tpu.wait_dma2 semaphore(%arg16 : memref<!tpu.dma_semaphore, #tpu.memory_space<semaphore_mem>>) src(%arg9 : memref<1x416xf32, #tpu.memory_space<vmem>>) dst(%dma_wait3A_246 : memref<1x416xf32, #tpu.memory_space<hbm>>)
      } else {
      }
      %scan3A_144 = arith.constant 0 : i32
      %scan3A_145 = arith.constant 0 : i32
      %scan3A_146 = arith.constant 13 : i32
      %scan3A_147 = arith.addi %scan3A_145, %scan3A_146 : i32
      %scan3A_148 = arith.constant 1 : i32
      scf.for %scan3A_237 = %scan3A_145 to %scan3A_147 step %scan3A_148  : i32 {
        %mul3A_238 = arith.constant 2 : i32
        %mul3A_239 = arith.muli %scan3A_237, %mul3A_238 : i32
        %add3A_240 = arith.constant 0 : i32
        %add3A_241 = arith.addi %mul3A_239, %add3A_240 : i32
        %add3A_242 = arith.constant 0 : i32
        %add3A_243 = arith.addi %add3A_242, %add3A_241 : i32
        %mul3A_244 = arith.constant 20 : i32
        %mul3A_245 = arith.muli %add3A_243, %mul3A_244 : i32
        %add3A_246 = arith.constant 0 : i32
        %add3A_247 = arith.addi %mul3A_245, %add3A_246 : i32
        %get3A = arith.index_cast %add3A_247 : i32 to index
        %get3A_248 = arith.constant 0 : index
        %get3A_249 = tpu.vector_load %arg7[%get3A, %get3A_248] {strides = array<i32>} : memref<520x16xf32, #tpu.memory_space<vmem>>, vector<1x16xf32>,
        %get3A_250 = vector.shape_cast %get3A_249 : vector<1x16xf32> to vector<16xf32>
        %add3A_251 = arith.constant 1 : i32
        %add3A_252 = arith.addi %mul3A_245, %add3A_251 : i32
        %get3A_253 = arith.index_cast %add3A_252 : i32 to index
        %get3A_254 = arith.constant 0 : index
        %get3A_255 = tpu.vector_load %arg7[%get3A_253, %get3A_254] {strides = array<i32>} : memref<520x16xf32, #tpu.memory_space<vmem>>, vector<1x16xf32>,
        %get3A_256 = vector.shape_cast %get3A_255 : vector<1x16xf32> to vector<16xf32>
        %add3A_257 = arith.constant 2 : i32
        %add3A_258 = arith.addi %mul3A_245, %add3A_257 : i32
        %get3A_259 = arith.index_cast %add3A_258 : i32 to index
        %get3A_260 = arith.constant 0 : index
        %get3A_261 = tpu.vector_load %arg7[%get3A_259, %get3A_260] {strides = array<i32>} : memref<520x16xf32, #tpu.memory_space<vmem>>, vector<1x16xf32>,
        %get3A_262 = vector.shape_cast %get3A_261 : vector<1x16xf32> to vector<16xf32>
        %add3A_263 = arith.constant 3 : i32
        %add3A_264 = arith.addi %mul3A_245, %add3A_263 : i32
        %get3A_265 = arith.index_cast %add3A_264 : i32 to index
        %get3A_266 = arith.constant 0 : index
        %get3A_267 = tpu.vector_load %arg7[%get3A_265, %get3A_266] {strides = array<i32>} : memref<520x16xf32, #tpu.memory_space<vmem>>, vector<1x16xf32>,
        %get3A_268 = vector.shape_cast %get3A_267 : vector<1x16xf32> to vector<16xf32>
        %add3A_269 = arith.constant 4 : i32
        %add3A_270 = arith.addi %mul3A_245, %add3A_269 : i32
        %get3A_271 = arith.index_cast %add3A_270 : i32 to index
        %get3A_272 = arith.constant 0 : index
        %get3A_273 = tpu.vector_load %arg7[%get3A_271, %get3A_272] {strides = array<i32>} : memref<520x16xf32, #tpu.memory_space<vmem>>, vector<1x16xf32>,
        %get3A_274 = vector.shape_cast %get3A_273 : vector<1x16xf32> to vector<16xf32>
        %add3A_275 = arith.constant 5 : i32
        %add3A_276 = arith.addi %mul3A_245, %add3A_275 : i32
        %get3A_277 = arith.index_cast %add3A_276 : i32 to index
        %get3A_278 = arith.constant 0 : index
        %get3A_279 = tpu.vector_load %arg7[%get3A_277, %get3A_278] {strides = array<i32>} : memref<520x16xf32, #tpu.memory_space<vmem>>, vector<1x16xf32>,
        %get3A_280 = vector.shape_cast %get3A_279 : vector<1x16xf32> to vector<16xf32>
        %add3A_281 = arith.constant 6 : i32
        %add3A_282 = arith.addi %mul3A_245, %add3A_281 : i32
        %get3A_283 = arith.index_cast %add3A_282 : i32 to index
        %get3A_284 = arith.constant 0 : index
        %get3A_285 = tpu.vector_load %arg7[%get3A_283, %get3A_284] {strides = array<i32>} : memref<520x16xf32, #tpu.memory_space<vmem>>, vector<1x16xf32>,
        %get3A_286 = vector.shape_cast %get3A_285 : vector<1x16xf32> to vector<16xf32>
        %add3A_287 = arith.constant 7 : i32
        %add3A_288 = arith.addi %mul3A_245, %add3A_287 : i32
        %get3A_289 = arith.index_cast %add3A_288 : i32 to index
        %get3A_290 = arith.constant 0 : index
        %get3A_291 = tpu.vector_load %arg7[%get3A_289, %get3A_290] {strides = array<i32>} : memref<520x16xf32, #tpu.memory_space<vmem>>, vector<1x16xf32>,
        %get3A_292 = vector.shape_cast %get3A_291 : vector<1x16xf32> to vector<16xf32>
        %add3A_293 = arith.constant 8 : i32
        %add3A_294 = arith.addi %mul3A_245, %add3A_293 : i32
        %get3A_295 = arith.index_cast %add3A_294 : i32 to index
        %get3A_296 = arith.constant 0 : index
        %get3A_297 = tpu.vector_load %arg7[%get3A_295, %get3A_296] {strides = array<i32>} : memref<520x16xf32, #tpu.memory_space<vmem>>, vector<1x16xf32>,
        %get3A_298 = vector.shape_cast %get3A_297 : vector<1x16xf32> to vector<16xf32>
        %add3A_299 = arith.constant 9 : i32
        %add3A_300 = arith.addi %mul3A_245, %add3A_299 : i32
        %get3A_301 = arith.index_cast %add3A_300 : i32 to index
        %get3A_302 = arith.constant 0 : index
        %get3A_303 = tpu.vector_load %arg7[%get3A_301, %get3A_302] {strides = array<i32>} : memref<520x16xf32, #tpu.memory_space<vmem>>, vector<1x16xf32>,
        %get3A_304 = vector.shape_cast %get3A_303 : vector<1x16xf32> to vector<16xf32>
        %add3A_305 = arith.constant 10 : i32
        %add3A_306 = arith.addi %mul3A_245, %add3A_305 : i32
        %get3A_307 = arith.index_cast %add3A_306 : i32 to index
        %get3A_308 = arith.constant 0 : index
        %get3A_309 = tpu.vector_load %arg7[%get3A_307, %get3A_308] {strides = array<i32>} : memref<520x16xf32, #tpu.memory_space<vmem>>, vector<1x16xf32>,
        %get3A_310 = vector.shape_cast %get3A_309 : vector<1x16xf32> to vector<16xf32>
        %add3A_311 = arith.constant 11 : i32
        %add3A_312 = arith.addi %mul3A_245, %add3A_311 : i32
        %get3A_313 = arith.index_cast %add3A_312 : i32 to index
        %get3A_314 = arith.constant 0 : index
        %get3A_315 = tpu.vector_load %arg7[%get3A_313, %get3A_314] {strides = array<i32>} : memref<520x16xf32, #tpu.memory_space<vmem>>, vector<1x16xf32>,
        %get3A_316 = vector.shape_cast %get3A_315 : vector<1x16xf32> to vector<16xf32>
        %add3A_317 = arith.constant 12 : i32
        %add3A_318 = arith.addi %mul3A_245, %add3A_317 : i32
        %get3A_319 = arith.index_cast %add3A_318 : i32 to index
        %get3A_320 = arith.constant 0 : index
        %get3A_321 = tpu.vector_load %arg7[%get3A_319, %get3A_320] {strides = array<i32>} : memref<520x16xf32, #tpu.memory_space<vmem>>, vector<1x16xf32>,
        %get3A_322 = vector.shape_cast %get3A_321 : vector<1x16xf32> to vector<16xf32>
        %add3A_323 = arith.constant 13 : i32
        %add3A_324 = arith.addi %mul3A_245, %add3A_323 : i32
        %get3A_325 = arith.index_cast %add3A_324 : i32 to index
        %get3A_326 = arith.constant 0 : index
        %get3A_327 = tpu.vector_load %arg7[%get3A_325, %get3A_326] {strides = array<i32>} : memref<520x16xf32, #tpu.memory_space<vmem>>, vector<1x16xf32>,
        %get3A_328 = vector.shape_cast %get3A_327 : vector<1x16xf32> to vector<16xf32>
        %add3A_329 = arith.constant 14 : i32
        %add3A_330 = arith.addi %mul3A_245, %add3A_329 : i32
        %get3A_331 = arith.index_cast %add3A_330 : i32 to index
        %get3A_332 = arith.constant 0 : index
        %get3A_333 = tpu.vector_load %arg7[%get3A_331, %get3A_332] {strides = array<i32>} : memref<520x16xf32, #tpu.memory_space<vmem>>, vector<1x16xf32>,
        %get3A_334 = vector.shape_cast %get3A_333 : vector<1x16xf32> to vector<16xf32>
        %add3A_335 = arith.constant 15 : i32
        %add3A_336 = arith.addi %mul3A_245, %add3A_335 : i32
        %get3A_337 = arith.index_cast %add3A_336 : i32 to index
        %get3A_338 = arith.constant 0 : index
        %get3A_339 = tpu.vector_load %arg7[%get3A_337, %get3A_338] {strides = array<i32>} : memref<520x16xf32, #tpu.memory_space<vmem>>, vector<1x16xf32>,
        %get3A_340 = vector.shape_cast %get3A_339 : vector<1x16xf32> to vector<16xf32>
        %add3A_341 = arith.constant 16 : i32
        %add3A_342 = arith.addi %mul3A_245, %add3A_341 : i32
        %get3A_343 = arith.index_cast %add3A_342 : i32 to index
        %get3A_344 = arith.constant 0 : index
        %get3A_345 = tpu.vector_load %arg7[%get3A_343, %get3A_344] {strides = array<i32>} : memref<520x16xf32, #tpu.memory_space<vmem>>, vector<1x16xf32>,
        %get3A_346 = vector.shape_cast %get3A_345 : vector<1x16xf32> to vector<16xf32>
        %add3A_347 = arith.constant 17 : i32
        %add3A_348 = arith.addi %mul3A_245, %add3A_347 : i32
        %get3A_349 = arith.index_cast %add3A_348 : i32 to index
        %get3A_350 = arith.constant 0 : index
        %get3A_351 = tpu.vector_load %arg7[%get3A_349, %get3A_350] {strides = array<i32>} : memref<520x16xf32, #tpu.memory_space<vmem>>, vector<1x16xf32>,
        %get3A_352 = vector.shape_cast %get3A_351 : vector<1x16xf32> to vector<16xf32>
        %add3A_353 = arith.constant 18 : i32
        %add3A_354 = arith.addi %mul3A_245, %add3A_353 : i32
        %get3A_355 = arith.index_cast %add3A_354 : i32 to index
        %get3A_356 = arith.constant 0 : index
        %get3A_357 = tpu.vector_load %arg7[%get3A_355, %get3A_356] {strides = array<i32>} : memref<520x16xf32, #tpu.memory_space<vmem>>, vector<1x16xf32>,
        %get3A_358 = vector.shape_cast %get3A_357 : vector<1x16xf32> to vector<16xf32>
        %add3A_359 = arith.constant 19 : i32
        %add3A_360 = arith.addi %mul3A_245, %add3A_359 : i32
        %get3A_361 = arith.index_cast %add3A_360 : i32 to index
        %get3A_362 = arith.constant 0 : index
        %get3A_363 = tpu.vector_load %arg7[%get3A_361, %get3A_362] {strides = array<i32>} : memref<520x16xf32, #tpu.memory_space<vmem>>, vector<1x16xf32>,
        %get3A_364 = vector.shape_cast %get3A_363 : vector<1x16xf32> to vector<16xf32>
        %add3A_365 = arith.addf %get3A_250, %get3A_256 : vector<16xf32>
        %add3A_366 = arith.addf %get3A_262, %get3A_268 : vector<16xf32>
        %add3A_367 = arith.addf %get3A_274, %get3A_280 : vector<16xf32>
        %add3A_368 = arith.addf %get3A_286, %get3A_292 : vector<16xf32>
        %add3A_369 = arith.addf %get3A_298, %get3A_304 : vector<16xf32>
        %add3A_370 = arith.addf %get3A_310, %get3A_316 : vector<16xf32>
        %add3A_371 = arith.addf %get3A_322, %get3A_328 : vector<16xf32>
        %add3A_372 = arith.addf %get3A_334, %get3A_340 : vector<16xf32>
        %add3A_373 = arith.addf %get3A_346, %get3A_352 : vector<16xf32>
        %add3A_374 = arith.addf %get3A_358, %get3A_364 : vector<16xf32>
        %add3A_375 = arith.addf %add3A_365, %add3A_366 : vector<16xf32>
        %add3A_376 = arith.addf %add3A_367, %add3A_368 : vector<16xf32>
        %add3A_377 = arith.addf %add3A_369, %add3A_370 : vector<16xf32>
        %add3A_378 = arith.addf %add3A_371, %add3A_372 : vector<16xf32>
        %add3A_379 = arith.addf %add3A_373, %add3A_374 : vector<16xf32>
        %add3A_380 = arith.addf %add3A_375, %add3A_376 : vector<16xf32>
        %add3A_381 = arith.addf %add3A_377, %add3A_378 : vector<16xf32>
        %add3A_382 = arith.addf %add3A_380, %add3A_381 : vector<16xf32>
        %add3A_383 = arith.addf %add3A_382, %add3A_379 : vector<16xf32>
        %mul3A_384 = arith.constant 16 : i32
        %mul3A_385 = arith.muli %add3A_241, %mul3A_384 : i32
        %swap3A = arith.constant 0 : i32
        %swap3A_386 = arith.index_cast %swap3A : i32 to index
        %swap3A_387 = arith.index_cast %mul3A_385 : i32 to index
        %swap3A_388 = tpu.vector_load %arg9[%swap3A_386, %swap3A_387] {strides = array<i32>} : memref<1x416xf32, #tpu.memory_space<vmem>>, vector<1x16xf32>,
        %swap3A_389 = vector.shape_cast %swap3A_388 : vector<1x16xf32> to vector<16xf32>
        %swap3A_390 = vector.shape_cast %add3A_383 : vector<16xf32> to vector<1x16xf32>
        tpu.vector_store %arg9[%swap3A_386, %swap3A_387], %swap3A_390 {strides = array<i32>} : memref<1x416xf32, #tpu.memory_space<vmem>>, vector<1x16xf32>,
        %mul3A_391 = arith.constant 2 : i32
        %mul3A_392 = arith.muli %scan3A_237, %mul3A_391 : i32
        %add3A_393 = arith.constant 1 : i32
        %add3A_394 = arith.addi %mul3A_392, %add3A_393 : i32
        %add3A_395 = arith.constant 0 : i32
        %add3A_396 = arith.addi %add3A_395, %add3A_394 : i32
        %mul3A_397 = arith.constant 20 : i32
        %mul3A_398 = arith.muli %add3A_396, %mul3A_397 : i32
        %add3A_399 = arith.constant 0 : i32
        %add3A_400 = arith.addi %mul3A_398, %add3A_399 : i32
        %get3A_401 = arith.index_cast %add3A_400 : i32 to index
        %get3A_402 = arith.constant 0 : index
        %get3A_403 = tpu.vector_load %arg7[%get3A_401, %get3A_402] {strides = array<i32>} : memref<520x16xf32, #tpu.memory_space<vmem>>, vector<1x16xf32>,
        %get3A_404 = vector.shape_cast %get3A_403 : vector<1x16xf32> to vector<16xf32>
        %add3A_405 = arith.constant 1 : i32
        %add3A_406 = arith.addi %mul3A_398, %add3A_405 : i32
        %get3A_407 = arith.index_cast %add3A_406 : i32 to index
        %get3A_408 = arith.constant 0 : index
        %get3A_409 = tpu.vector_load %arg7[%get3A_407, %get3A_408] {strides = array<i32>} : memref<520x16xf32, #tpu.memory_space<vmem>>, vector<1x16xf32>,
        %get3A_410 = vector.shape_cast %get3A_409 : vector<1x16xf32> to vector<16xf32>
        %add3A_411 = arith.constant 2 : i32
        %add3A_412 = arith.addi %mul3A_398, %add3A_411 : i32
        %get3A_413 = arith.index_cast %add3A_412 : i32 to index
        %get3A_414 = arith.constant 0 : index
        %get3A_415 = tpu.vector_load %arg7[%get3A_413, %get3A_414] {strides = array<i32>} : memref<520x16xf32, #tpu.memory_space<vmem>>, vector<1x16xf32>,
        %get3A_416 = vector.shape_cast %get3A_415 : vector<1x16xf32> to vector<16xf32>
        %add3A_417 = arith.constant 3 : i32
        %add3A_418 = arith.addi %mul3A_398, %add3A_417 : i32
        %get3A_419 = arith.index_cast %add3A_418 : i32 to index
        %get3A_420 = arith.constant 0 : index
        %get3A_421 = tpu.vector_load %arg7[%get3A_419, %get3A_420] {strides = array<i32>} : memref<520x16xf32, #tpu.memory_space<vmem>>, vector<1x16xf32>,
        %get3A_422 = vector.shape_cast %get3A_421 : vector<1x16xf32> to vector<16xf32>
        %add3A_423 = arith.constant 4 : i32
        %add3A_424 = arith.addi %mul3A_398, %add3A_423 : i32
        %get3A_425 = arith.index_cast %add3A_424 : i32 to index
        %get3A_426 = arith.constant 0 : index
        %get3A_427 = tpu.vector_load %arg7[%get3A_425, %get3A_426] {strides = array<i32>} : memref<520x16xf32, #tpu.memory_space<vmem>>, vector<1x16xf32>,
        %get3A_428 = vector.shape_cast %get3A_427 : vector<1x16xf32> to vector<16xf32>
        %add3A_429 = arith.constant 5 : i32
        %add3A_430 = arith.addi %mul3A_398, %add3A_429 : i32
        %get3A_431 = arith.index_cast %add3A_430 : i32 to index
        %get3A_432 = arith.constant 0 : index
        %get3A_433 = tpu.vector_load %arg7[%get3A_431, %get3A_432] {strides = array<i32>} : memref<520x16xf32, #tpu.memory_space<vmem>>, vector<1x16xf32>,
        %get3A_434 = vector.shape_cast %get3A_433 : vector<1x16xf32> to vector<16xf32>
        %add3A_435 = arith.constant 6 : i32
        %add3A_436 = arith.addi %mul3A_398, %add3A_435 : i32
        %get3A_437 = arith.index_cast %add3A_436 : i32 to index
        %get3A_438 = arith.constant 0 : index
        %get3A_439 = tpu.vector_load %arg7[%get3A_437, %get3A_438] {strides = array<i32>} : memref<520x16xf32, #tpu.memory_space<vmem>>, vector<1x16xf32>,
        %get3A_440 = vector.shape_cast %get3A_439 : vector<1x16xf32> to vector<16xf32>
        %add3A_441 = arith.constant 7 : i32
        %add3A_442 = arith.addi %mul3A_398, %add3A_441 : i32
        %get3A_443 = arith.index_cast %add3A_442 : i32 to index
        %get3A_444 = arith.constant 0 : index
        %get3A_445 = tpu.vector_load %arg7[%get3A_443, %get3A_444] {strides = array<i32>} : memref<520x16xf32, #tpu.memory_space<vmem>>, vector<1x16xf32>,
        %get3A_446 = vector.shape_cast %get3A_445 : vector<1x16xf32> to vector<16xf32>
        %add3A_447 = arith.constant 8 : i32
        %add3A_448 = arith.addi %mul3A_398, %add3A_447 : i32
        %get3A_449 = arith.index_cast %add3A_448 : i32 to index
        %get3A_450 = arith.constant 0 : index
        %get3A_451 = tpu.vector_load %arg7[%get3A_449, %get3A_450] {strides = array<i32>} : memref<520x16xf32, #tpu.memory_space<vmem>>, vector<1x16xf32>,
        %get3A_452 = vector.shape_cast %get3A_451 : vector<1x16xf32> to vector<16xf32>
        %add3A_453 = arith.constant 9 : i32
        %add3A_454 = arith.addi %mul3A_398, %add3A_453 : i32
        %get3A_455 = arith.index_cast %add3A_454 : i32 to index
        %get3A_456 = arith.constant 0 : index
        %get3A_457 = tpu.vector_load %arg7[%get3A_455, %get3A_456] {strides = array<i32>} : memref<520x16xf32, #tpu.memory_space<vmem>>, vector<1x16xf32>,
        %get3A_458 = vector.shape_cast %get3A_457 : vector<1x16xf32> to vector<16xf32>
        %add3A_459 = arith.constant 10 : i32
        %add3A_460 = arith.addi %mul3A_398, %add3A_459 : i32
        %get3A_461 = arith.index_cast %add3A_460 : i32 to index
        %get3A_462 = arith.constant 0 : index
        %get3A_463 = tpu.vector_load %arg7[%get3A_461, %get3A_462] {strides = array<i32>} : memref<520x16xf32, #tpu.memory_space<vmem>>, vector<1x16xf32>,
        %get3A_464 = vector.shape_cast %get3A_463 : vector<1x16xf32> to vector<16xf32>
        %add3A_465 = arith.constant 11 : i32
        %add3A_466 = arith.addi %mul3A_398, %add3A_465 : i32
        %get3A_467 = arith.index_cast %add3A_466 : i32 to index
        %get3A_468 = arith.constant 0 : index
        %get3A_469 = tpu.vector_load %arg7[%get3A_467, %get3A_468] {strides = array<i32>} : memref<520x16xf32, #tpu.memory_space<vmem>>, vector<1x16xf32>,
        %get3A_470 = vector.shape_cast %get3A_469 : vector<1x16xf32> to vector<16xf32>
        %add3A_471 = arith.constant 12 : i32
        %add3A_472 = arith.addi %mul3A_398, %add3A_471 : i32
        %get3A_473 = arith.index_cast %add3A_472 : i32 to index
        %get3A_474 = arith.constant 0 : index
        %get3A_475 = tpu.vector_load %arg7[%get3A_473, %get3A_474] {strides = array<i32>} : memref<520x16xf32, #tpu.memory_space<vmem>>, vector<1x16xf32>,
        %get3A_476 = vector.shape_cast %get3A_475 : vector<1x16xf32> to vector<16xf32>
        %add3A_477 = arith.constant 13 : i32
        %add3A_478 = arith.addi %mul3A_398, %add3A_477 : i32
        %get3A_479 = arith.index_cast %add3A_478 : i32 to index
        %get3A_480 = arith.constant 0 : index
        %get3A_481 = tpu.vector_load %arg7[%get3A_479, %get3A_480] {strides = array<i32>} : memref<520x16xf32, #tpu.memory_space<vmem>>, vector<1x16xf32>,
        %get3A_482 = vector.shape_cast %get3A_481 : vector<1x16xf32> to vector<16xf32>
        %add3A_483 = arith.constant 14 : i32
        %add3A_484 = arith.addi %mul3A_398, %add3A_483 : i32
        %get3A_485 = arith.index_cast %add3A_484 : i32 to index
        %get3A_486 = arith.constant 0 : index
        %get3A_487 = tpu.vector_load %arg7[%get3A_485, %get3A_486] {strides = array<i32>} : memref<520x16xf32, #tpu.memory_space<vmem>>, vector<1x16xf32>,
        %get3A_488 = vector.shape_cast %get3A_487 : vector<1x16xf32> to vector<16xf32>
        %add3A_489 = arith.constant 15 : i32
        %add3A_490 = arith.addi %mul3A_398, %add3A_489 : i32
        %get3A_491 = arith.index_cast %add3A_490 : i32 to index
        %get3A_492 = arith.constant 0 : index
        %get3A_493 = tpu.vector_load %arg7[%get3A_491, %get3A_492] {strides = array<i32>} : memref<520x16xf32, #tpu.memory_space<vmem>>, vector<1x16xf32>,
        %get3A_494 = vector.shape_cast %get3A_493 : vector<1x16xf32> to vector<16xf32>
        %add3A_495 = arith.constant 16 : i32
        %add3A_496 = arith.addi %mul3A_398, %add3A_495 : i32
        %get3A_497 = arith.index_cast %add3A_496 : i32 to index
        %get3A_498 = arith.constant 0 : index
        %get3A_499 = tpu.vector_load %arg7[%get3A_497, %get3A_498] {strides = array<i32>} : memref<520x16xf32, #tpu.memory_space<vmem>>, vector<1x16xf32>,
        %get3A_500 = vector.shape_cast %get3A_499 : vector<1x16xf32> to vector<16xf32>
        %add3A_501 = arith.constant 17 : i32
        %add3A_502 = arith.addi %mul3A_398, %add3A_501 : i32
        %get3A_503 = arith.index_cast %add3A_502 : i32 to index
        %get3A_504 = arith.constant 0 : index
        %get3A_505 = tpu.vector_load %arg7[%get3A_503, %get3A_504] {strides = array<i32>} : memref<520x16xf32, #tpu.memory_space<vmem>>, vector<1x16xf32>,
        %get3A_506 = vector.shape_cast %get3A_505 : vector<1x16xf32> to vector<16xf32>
        %add3A_507 = arith.constant 18 : i32
        %add3A_508 = arith.addi %mul3A_398, %add3A_507 : i32
        %get3A_509 = arith.index_cast %add3A_508 : i32 to index
        %get3A_510 = arith.constant 0 : index
        %get3A_511 = tpu.vector_load %arg7[%get3A_509, %get3A_510] {strides = array<i32>} : memref<520x16xf32, #tpu.memory_space<vmem>>, vector<1x16xf32>,
        %get3A_512 = vector.shape_cast %get3A_511 : vector<1x16xf32> to vector<16xf32>
        %add3A_513 = arith.constant 19 : i32
        %add3A_514 = arith.addi %mul3A_398, %add3A_513 : i32
        %get3A_515 = arith.index_cast %add3A_514 : i32 to index
        %get3A_516 = arith.constant 0 : index
        %get3A_517 = tpu.vector_load %arg7[%get3A_515, %get3A_516] {strides = array<i32>} : memref<520x16xf32, #tpu.memory_space<vmem>>, vector<1x16xf32>,
        %get3A_518 = vector.shape_cast %get3A_517 : vector<1x16xf32> to vector<16xf32>
        %add3A_519 = arith.addf %get3A_404, %get3A_410 : vector<16xf32>
        %add3A_520 = arith.addf %get3A_416, %get3A_422 : vector<16xf32>
        %add3A_521 = arith.addf %get3A_428, %get3A_434 : vector<16xf32>
        %add3A_522 = arith.addf %get3A_440, %get3A_446 : vector<16xf32>
        %add3A_523 = arith.addf %get3A_452, %get3A_458 : vector<16xf32>
        %add3A_524 = arith.addf %get3A_464, %get3A_470 : vector<16xf32>
        %add3A_525 = arith.addf %get3A_476, %get3A_482 : vector<16xf32>
        %add3A_526 = arith.addf %get3A_488, %get3A_494 : vector<16xf32>
        %add3A_527 = arith.addf %get3A_500, %get3A_506 : vector<16xf32>
        %add3A_528 = arith.addf %get3A_512, %get3A_518 : vector<16xf32>
        %add3A_529 = arith.addf %add3A_519, %add3A_520 : vector<16xf32>
        %add3A_530 = arith.addf %add3A_521, %add3A_522 : vector<16xf32>
        %add3A_531 = arith.addf %add3A_523, %add3A_524 : vector<16xf32>
        %add3A_532 = arith.addf %add3A_525, %add3A_526 : vector<16xf32>
        %add3A_533 = arith.addf %add3A_527, %add3A_528 : vector<16xf32>
        %add3A_534 = arith.addf %add3A_529, %add3A_530 : vector<16xf32>
        %add3A_535 = arith.addf %add3A_531, %add3A_532 : vector<16xf32>
        %add3A_536 = arith.addf %add3A_534, %add3A_535 : vector<16xf32>
        %add3A_537 = arith.addf %add3A_536, %add3A_533 : vector<16xf32>
        %mul3A_538 = arith.constant 16 : i32
        %mul3A_539 = arith.muli %add3A_394, %mul3A_538 : i32
        %swap3A_540 = arith.constant 0 : i32
        %swap3A_541 = arith.index_cast %swap3A_540 : i32 to index
        %swap3A_542 = arith.index_cast %mul3A_539 : i32 to index
        %swap3A_543 = tpu.vector_load %arg9[%swap3A_541, %swap3A_542] {strides = array<i32>} : memref<1x416xf32, #tpu.memory_space<vmem>>, vector<1x16xf32>,
        %swap3A_544 = vector.shape_cast %swap3A_543 : vector<1x16xf32> to vector<16xf32>
        %swap3A_545 = vector.shape_cast %add3A_537 : vector<16xf32> to vector<1x16xf32>
        tpu.vector_store %arg9[%swap3A_541, %swap3A_542], %swap3A_545 {strides = array<i32>} : memref<1x416xf32, #tpu.memory_space<vmem>>, vector<1x16xf32>,
      }
      %scan3A_149 = arith.constant 13 : i32
      %mul3A_150 = arith.constant 128 : i32
      %mul3A_151 = arith.muli %add3A, %mul3A_150 : i32
      %mul3A_152 = arith.constant 1 : i32
      %mul3A_153 = arith.muli %mul3A_88, %mul3A_152 : i32
      %add3A_154 = arith.addi %mul3A_151, %mul3A_153 : i32
      %dma_start3A_155 = arith.constant 0 : i32
      %dma_start3A_156 = tpu.memref_slice %arg4[%add3A_154, %dma_start3A_155] : memref<4096x416xf32, #tpu.memory_space<hbm>> -> memref<1x416xf32, #tpu.memory_space<hbm>>
      %dma_start3A_157 = arith.constant 0 : i32
      %dma_start3A_158 = tpu.memref_slice %arg4[%add3A_154, %dma_start3A_157] : memref<4096x416xf32, #tpu.memory_space<hbm>> -> memref<1x416xf32, #tpu.memory_space<hbm>>
      tpu.enqueue_dma source(%arg9 : memref<1x416xf32, #tpu.memory_space<vmem>>) target(%dma_start3A_158 : memref<1x416xf32, #tpu.memory_space<hbm>>) target_semaphore(%arg16 : memref<!tpu.dma_semaphore, #tpu.memory_space<semaphore_mem>>)
      %mul3A_159 = arith.constant 2 : i32
      %mul3A_160 = arith.muli %mul3A_159, %scan3A_86 : i32
      %add3A_161 = arith.constant 1 : i32
      %add3A_162 = arith.addi %mul3A_160, %add3A_161 : i32
      %dma_wait3A_163 = arith.constant 0 : i32
      %dma_wait3A_164 = arith.constant 0 : i32
      %dma_wait3A_165 = tpu.memref_slice %arg8[%dma_wait3A_163, %dma_wait3A_164] : memref<520x16xf32, #tpu.memory_space<vmem>> -> memref<104x16xf32, #tpu.memory_space<vmem>>
      %dma_wait3A_166 = arith.constant 0 : i32
      %dma_wait3A_167 = tpu.memref_slice %arg6[%dma_wait3A_166] : memref<520xi32, #tpu.memory_space<vmem>> -> memref<104xi32, #tpu.memory_space<vmem>>
      %dma_wait3A_168 = arith.constant 0 : i32
      %dma_wait3A_169 = arith.constant 0 : i32
      %dma_wait3A_170 = tpu.memref_slice %arg11[%dma_wait3A_168, %dma_wait3A_169] : memref<100000x16xf32, #tpu.memory_space<vmem_shared>> -> memref<100000x16xf32, #tpu.memory_space<vmem_shared>>
      tpu.wait_indirect_dma semaphore(%arg13 : memref<!tpu.dma_semaphore, #tpu.memory_space<semaphore_mem>>) src(%dma_wait3A_170 : memref<100000x16xf32, #tpu.memory_space<vmem_shared>>) dst(%dma_wait3A_165 : memref<104x16xf32, #tpu.memory_space<vmem>>)
      %dma_wait3A_171 = arith.constant 104 : i32
      %dma_wait3A_172 = arith.constant 0 : i32
      %dma_wait3A_173 = tpu.memref_slice %arg8[%dma_wait3A_171, %dma_wait3A_172] : memref<520x16xf32, #tpu.memory_space<vmem>> -> memref<104x16xf32, #tpu.memory_space<vmem>>
      %dma_wait3A_174 = arith.constant 104 : i32
      %dma_wait3A_175 = tpu.memref_slice %arg6[%dma_wait3A_174] : memref<520xi32, #tpu.memory_space<vmem>> -> memref<104xi32, #tpu.memory_space<vmem>>
      %dma_wait3A_176 = arith.constant 0 : i32
      %dma_wait3A_177 = arith.constant 0 : i32
      %dma_wait3A_178 = tpu.memref_slice %arg11[%dma_wait3A_176, %dma_wait3A_177] : memref<100000x16xf32, #tpu.memory_space<vmem_shared>> -> memref<100000x16xf32, #tpu.memory_space<vmem_shared>>
      tpu.wait_indirect_dma semaphore(%arg13 : memref<!tpu.dma_semaphore, #tpu.memory_space<semaphore_mem>>) src(%dma_wait3A_178 : memref<100000x16xf32, #tpu.memory_space<vmem_shared>>) dst(%dma_wait3A_173 : memref<104x16xf32, #tpu.memory_space<vmem>>)
      %dma_wait3A_179 = arith.constant 208 : i32
      %dma_wait3A_180 = arith.constant 0 : i32
      %dma_wait3A_181 = tpu.memref_slice %arg8[%dma_wait3A_179, %dma_wait3A_180] : memref<520x16xf32, #tpu.memory_space<vmem>> -> memref<104x16xf32, #tpu.memory_space<vmem>>
      %dma_wait3A_182 = arith.constant 208 : i32
      %dma_wait3A_183 = tpu.memref_slice %arg6[%dma_wait3A_182] : memref<520xi32, #tpu.memory_space<vmem>> -> memref<104xi32, #tpu.memory_space<vmem>>
      %dma_wait3A_184 = arith.constant 0 : i32
      %dma_wait3A_185 = arith.constant 0 : i32
      %dma_wait3A_186 = tpu.memref_slice %arg11[%dma_wait3A_184, %dma_wait3A_185] : memref<100000x16xf32, #tpu.memory_space<vmem_shared>> -> memref<100000x16xf32, #tpu.memory_space<vmem_shared>>
      tpu.wait_indirect_dma semaphore(%arg13 : memref<!tpu.dma_semaphore, #tpu.memory_space<semaphore_mem>>) src(%dma_wait3A_186 : memref<100000x16xf32, #tpu.memory_space<vmem_shared>>) dst(%dma_wait3A_181 : memref<104x16xf32, #tpu.memory_space<vmem>>)
      %dma_wait3A_187 = arith.constant 312 : i32
      %dma_wait3A_188 = arith.constant 0 : i32
      %dma_wait3A_189 = tpu.memref_slice %arg8[%dma_wait3A_187, %dma_wait3A_188] : memref<520x16xf32, #tpu.memory_space<vmem>> -> memref<104x16xf32, #tpu.memory_space<vmem>>
      %dma_wait3A_190 = arith.constant 312 : i32
      %dma_wait3A_191 = tpu.memref_slice %arg6[%dma_wait3A_190] : memref<520xi32, #tpu.memory_space<vmem>> -> memref<104xi32, #tpu.memory_space<vmem>>
      %dma_wait3A_192 = arith.constant 0 : i32
      %dma_wait3A_193 = arith.constant 0 : i32
      %dma_wait3A_194 = tpu.memref_slice %arg11[%dma_wait3A_192, %dma_wait3A_193] : memref<100000x16xf32, #tpu.memory_space<vmem_shared>> -> memref<100000x16xf32, #tpu.memory_space<vmem_shared>>
      tpu.wait_indirect_dma semaphore(%arg13 : memref<!tpu.dma_semaphore, #tpu.memory_space<semaphore_mem>>) src(%dma_wait3A_194 : memref<100000x16xf32, #tpu.memory_space<vmem_shared>>) dst(%dma_wait3A_189 : memref<104x16xf32, #tpu.memory_space<vmem>>)
      %dma_wait3A_195 = arith.constant 416 : i32
      %dma_wait3A_196 = arith.constant 0 : i32
      %dma_wait3A_197 = tpu.memref_slice %arg8[%dma_wait3A_195, %dma_wait3A_196] : memref<520x16xf32, #tpu.memory_space<vmem>> -> memref<104x16xf32, #tpu.memory_space<vmem>>
      %dma_wait3A_198 = arith.constant 416 : i32
      %dma_wait3A_199 = tpu.memref_slice %arg6[%dma_wait3A_198] : memref<520xi32, #tpu.memory_space<vmem>> -> memref<104xi32, #tpu.memory_space<vmem>>
      %dma_wait3A_200 = arith.constant 0 : i32
      %dma_wait3A_201 = arith.constant 0 : i32
      %dma_wait3A_202 = tpu.memref_slice %arg11[%dma_wait3A_200, %dma_wait3A_201] : memref<100000x16xf32, #tpu.memory_space<vmem_shared>> -> memref<100000x16xf32, #tpu.memory_space<vmem_shared>>
      tpu.wait_indirect_dma semaphore(%arg13 : memref<!tpu.dma_semaphore, #tpu.memory_space<semaphore_mem>>) src(%dma_wait3A_202 : memref<100000x16xf32, #tpu.memory_space<vmem_shared>>) dst(%dma_wait3A_197 : memref<104x16xf32, #tpu.memory_space<vmem>>)
      %add3A_203 = arith.constant 2 : i32
      %add3A_204 = arith.addi %add3A_162, %add3A_203 : i32
      %lt3A_205 = arith.constant 128 : i32
      %lt3A_206 = arith.cmpi slt, %add3A_204, %lt3A_205 : i32
      %convert_element_type3A_207 = arith.extui %lt3A_206 : i1 to i32
      %cond3A_208 = arith.constant 0 : i32
      %cond3A_209 = arith.cmpi ne, %convert_element_type3A_207, %cond3A_208 : i32
      scf.if %cond3A_209 {
        %add3A_237 = arith.constant 2 : i32
        %add3A_238 = arith.addi %add3A_162, %add3A_237 : i32
        %mul3A_239 = arith.constant 128 : i32
        %mul3A_240 = arith.muli %add3A, %mul3A_239 : i32
        %mul3A_241 = arith.constant 1 : i32
        %mul3A_242 = arith.muli %add3A_238, %mul3A_241 : i32
        %add3A_243 = arith.addi %mul3A_240, %mul3A_242 : i32
        %mul3A_244 = arith.constant 520 : i32
        %mul3A_245 = arith.muli %add3A_243, %mul3A_244 : i32
        %dma_start3A_246 = tpu.memref_slice %arg3[%mul3A_245] : memref<2129920xi32, #tpu.memory_space<hbm>> -> memref<520xi32, #tpu.memory_space<hbm>>
        %dma_start3A_247 = tpu.memref_slice %arg3[%mul3A_245] : memref<2129920xi32, #tpu.memory_space<hbm>> -> memref<520xi32, #tpu.memory_space<hbm>>
        tpu.enqueue_dma source(%dma_start3A_247 : memref<520xi32, #tpu.memory_space<hbm>>) target(%arg6 : memref<520xi32, #tpu.memory_space<vmem>>) target_semaphore(%arg15 : memref<!tpu.dma_semaphore, #tpu.memory_space<semaphore_mem>>)
      } else {
      }
      %add3A_210 = arith.constant 1 : i32
      %add3A_211 = arith.addi %add3A_162, %add3A_210 : i32
      %lt3A_212 = arith.constant 128 : i32
      %lt3A_213 = arith.cmpi slt, %add3A_211, %lt3A_212 : i32
      %convert_element_type3A_214 = arith.extui %lt3A_213 : i1 to i32
      %cond3A_215 = arith.constant 0 : i32
      %cond3A_216 = arith.cmpi ne, %convert_element_type3A_214, %cond3A_215 : i32
      scf.if %cond3A_216 {
        %add3A_237 = arith.constant 1 : i32
        %add3A_238 = arith.addi %add3A_162, %add3A_237 : i32
        %mul3A_239 = arith.constant 128 : i32
        %mul3A_240 = arith.muli %add3A, %mul3A_239 : i32
        %mul3A_241 = arith.constant 1 : i32
        %mul3A_242 = arith.muli %add3A_238, %mul3A_241 : i32
        %add3A_243 = arith.addi %mul3A_240, %mul3A_242 : i32
        %mul3A_244 = arith.constant 520 : i32
        %mul3A_245 = arith.muli %add3A_243, %mul3A_244 : i32
        %dma_wait3A_246 = tpu.memref_slice %arg3[%mul3A_245] : memref<2129920xi32, #tpu.memory_space<hbm>> -> memref<520xi32, #tpu.memory_space<hbm>>
        %dma_wait3A_247 = tpu.memref_slice %arg3[%mul3A_245] : memref<2129920xi32, #tpu.memory_space<hbm>> -> memref<520xi32, #tpu.memory_space<hbm>>
        tpu.wait_dma2 semaphore(%arg14 : memref<!tpu.dma_semaphore, #tpu.memory_space<semaphore_mem>>) src(%dma_wait3A_247 : memref<520xi32, #tpu.memory_space<hbm>>) dst(%arg5 : memref<520xi32, #tpu.memory_space<vmem>>)
        %dma_start3A_248 = arith.constant 0 : i32
        %dma_start3A_249 = arith.constant 0 : i32
        %dma_start3A_250 = tpu.memref_slice %arg7[%dma_start3A_248, %dma_start3A_249] : memref<520x16xf32, #tpu.memory_space<vmem>> -> memref<104x16xf32, #tpu.memory_space<vmem>>
        %dma_start3A_251 = arith.constant 0 : i32
        %dma_start3A_252 = tpu.memref_slice %arg5[%dma_start3A_251] : memref<520xi32, #tpu.memory_space<vmem>> -> memref<104xi32, #tpu.memory_space<vmem>>
        %dma_start3A_253 = arith.constant 0 : i32
        %dma_start3A_254 = arith.constant 0 : i32
        %dma_start3A_255 = tpu.memref_slice %arg11[%dma_start3A_253, %dma_start3A_254] : memref<100000x16xf32, #tpu.memory_space<vmem_shared>> -> memref<100000x16xf32, #tpu.memory_space<vmem_shared>>
        tpu.enqueue_indirect_dma source(%dma_start3A_255 : memref<100000x16xf32, #tpu.memory_space<vmem_shared>>) target(%dma_start3A_250 : memref<104x16xf32, #tpu.memory_space<vmem>>) offsets(%dma_start3A_252 : memref<104xi32, #tpu.memory_space<vmem>>) semaphore(%arg12 : memref<!tpu.dma_semaphore, #tpu.memory_space<semaphore_mem>>)
        %dma_start3A_256 = arith.constant 104 : i32
        %dma_start3A_257 = arith.constant 0 : i32
        %dma_start3A_258 = tpu.memref_slice %arg7[%dma_start3A_256, %dma_start3A_257] : memref<520x16xf32, #tpu.memory_space<vmem>> -> memref<104x16xf32, #tpu.memory_space<vmem>>
        %dma_start3A_259 = arith.constant 104 : i32
        %dma_start3A_260 = tpu.memref_slice %arg5[%dma_start3A_259] : memref<520xi32, #tpu.memory_space<vmem>> -> memref<104xi32, #tpu.memory_space<vmem>>
        %dma_start3A_261 = arith.constant 0 : i32
        %dma_start3A_262 = arith.constant 0 : i32
        %dma_start3A_263 = tpu.memref_slice %arg11[%dma_start3A_261, %dma_start3A_262] : memref<100000x16xf32, #tpu.memory_space<vmem_shared>> -> memref<100000x16xf32, #tpu.memory_space<vmem_shared>>
        tpu.enqueue_indirect_dma source(%dma_start3A_263 : memref<100000x16xf32, #tpu.memory_space<vmem_shared>>) target(%dma_start3A_258 : memref<104x16xf32, #tpu.memory_space<vmem>>) offsets(%dma_start3A_260 : memref<104xi32, #tpu.memory_space<vmem>>) semaphore(%arg12 : memref<!tpu.dma_semaphore, #tpu.memory_space<semaphore_mem>>)
        %dma_start3A_264 = arith.constant 208 : i32
        %dma_start3A_265 = arith.constant 0 : i32
        %dma_start3A_266 = tpu.memref_slice %arg7[%dma_start3A_264, %dma_start3A_265] : memref<520x16xf32, #tpu.memory_space<vmem>> -> memref<104x16xf32, #tpu.memory_space<vmem>>
        %dma_start3A_267 = arith.constant 208 : i32
        %dma_start3A_268 = tpu.memref_slice %arg5[%dma_start3A_267] : memref<520xi32, #tpu.memory_space<vmem>> -> memref<104xi32, #tpu.memory_space<vmem>>
        %dma_start3A_269 = arith.constant 0 : i32
        %dma_start3A_270 = arith.constant 0 : i32
        %dma_start3A_271 = tpu.memref_slice %arg11[%dma_start3A_269, %dma_start3A_270] : memref<100000x16xf32, #tpu.memory_space<vmem_shared>> -> memref<100000x16xf32, #tpu.memory_space<vmem_shared>>
        tpu.enqueue_indirect_dma source(%dma_start3A_271 : memref<100000x16xf32, #tpu.memory_space<vmem_shared>>) target(%dma_start3A_266 : memref<104x16xf32, #tpu.memory_space<vmem>>) offsets(%dma_start3A_268 : memref<104xi32, #tpu.memory_space<vmem>>) semaphore(%arg12 : memref<!tpu.dma_semaphore, #tpu.memory_space<semaphore_mem>>)
        %dma_start3A_272 = arith.constant 312 : i32
        %dma_start3A_273 = arith.constant 0 : i32
        %dma_start3A_274 = tpu.memref_slice %arg7[%dma_start3A_272, %dma_start3A_273] : memref<520x16xf32, #tpu.memory_space<vmem>> -> memref<104x16xf32, #tpu.memory_space<vmem>>
        %dma_start3A_275 = arith.constant 312 : i32
        %dma_start3A_276 = tpu.memref_slice %arg5[%dma_start3A_275] : memref<520xi32, #tpu.memory_space<vmem>> -> memref<104xi32, #tpu.memory_space<vmem>>
        %dma_start3A_277 = arith.constant 0 : i32
        %dma_start3A_278 = arith.constant 0 : i32
        %dma_start3A_279 = tpu.memref_slice %arg11[%dma_start3A_277, %dma_start3A_278] : memref<100000x16xf32, #tpu.memory_space<vmem_shared>> -> memref<100000x16xf32, #tpu.memory_space<vmem_shared>>
        tpu.enqueue_indirect_dma source(%dma_start3A_279 : memref<100000x16xf32, #tpu.memory_space<vmem_shared>>) target(%dma_start3A_274 : memref<104x16xf32, #tpu.memory_space<vmem>>) offsets(%dma_start3A_276 : memref<104xi32, #tpu.memory_space<vmem>>) semaphore(%arg12 : memref<!tpu.dma_semaphore, #tpu.memory_space<semaphore_mem>>)
        %dma_start3A_280 = arith.constant 416 : i32
        %dma_start3A_281 = arith.constant 0 : i32
        %dma_start3A_282 = tpu.memref_slice %arg7[%dma_start3A_280, %dma_start3A_281] : memref<520x16xf32, #tpu.memory_space<vmem>> -> memref<104x16xf32, #tpu.memory_space<vmem>>
        %dma_start3A_283 = arith.constant 416 : i32
        %dma_start3A_284 = tpu.memref_slice %arg5[%dma_start3A_283] : memref<520xi32, #tpu.memory_space<vmem>> -> memref<104xi32, #tpu.memory_space<vmem>>
        %dma_start3A_285 = arith.constant 0 : i32
        %dma_start3A_286 = arith.constant 0 : i32
        %dma_start3A_287 = tpu.memref_slice %arg11[%dma_start3A_285, %dma_start3A_286] : memref<100000x16xf32, #tpu.memory_space<vmem_shared>> -> memref<100000x16xf32, #tpu.memory_space<vmem_shared>>
        tpu.enqueue_indirect_dma source(%dma_start3A_287 : memref<100000x16xf32, #tpu.memory_space<vmem_shared>>) target(%dma_start3A_282 : memref<104x16xf32, #tpu.memory_space<vmem>>) offsets(%dma_start3A_284 : memref<104xi32, #tpu.memory_space<vmem>>) semaphore(%arg12 : memref<!tpu.dma_semaphore, #tpu.memory_space<semaphore_mem>>)
      } else {
      }
      %ge3A_217 = arith.constant 2 : i32
      %ge3A_218 = arith.cmpi sge, %add3A_162, %ge3A_217 : i32
      %convert_element_type3A_219 = arith.extui %ge3A_218 : i1 to i32
      %cond3A_220 = arith.constant 0 : i32
      %cond3A_221 = arith.cmpi ne, %convert_element_type3A_219, %cond3A_220 : i32
      scf.if %cond3A_221 {
        %sub3A = arith.constant 2 : i32
        %sub3A_237 = arith.subi %add3A_162, %sub3A : i32
        %mul3A_238 = arith.constant 128 : i32
        %mul3A_239 = arith.muli %add3A, %mul3A_238 : i32
        %mul3A_240 = arith.constant 1 : i32
        %mul3A_241 = arith.muli %sub3A_237, %mul3A_240 : i32
        %add3A_242 = arith.addi %mul3A_239, %mul3A_241 : i32
        %dma_wait3A_243 = arith.constant 0 : i32
        %dma_wait3A_244 = tpu.memref_slice %arg4[%add3A_242, %dma_wait3A_243] : memref<4096x416xf32, #tpu.memory_space<hbm>> -> memref<1x416xf32, #tpu.memory_space<hbm>>
        %dma_wait3A_245 = arith.constant 0 : i32
        %dma_wait3A_246 = tpu.memref_slice %arg4[%add3A_242, %dma_wait3A_245] : memref<4096x416xf32, #tpu.memory_space<hbm>> -> memref<1x416xf32, #tpu.memory_space<hbm>>
        tpu.wait_dma2 semaphore(%arg17 : memref<!tpu.dma_semaphore, #tpu.memory_space<semaphore_mem>>) src(%arg10 : memref<1x416xf32, #tpu.memory_space<vmem>>) dst(%dma_wait3A_246 : memref<1x416xf32, #tpu.memory_space<hbm>>)
      } else {
      }
      %scan3A_222 = arith.constant 0 : i32
      %scan3A_223 = arith.constant 0 : i32
      %scan3A_224 = arith.constant 13 : i32
      %scan3A_225 = arith.addi %scan3A_223, %scan3A_224 : i32
      %scan3A_226 = arith.constant 1 : i32
      scf.for %scan3A_237 = %scan3A_223 to %scan3A_225 step %scan3A_226  : i32 {
        %mul3A_238 = arith.constant 2 : i32
        %mul3A_239 = arith.muli %scan3A_237, %mul3A_238 : i32
        %add3A_240 = arith.constant 0 : i32
        %add3A_241 = arith.addi %mul3A_239, %add3A_240 : i32
        %add3A_242 = arith.constant 0 : i32
        %add3A_243 = arith.addi %add3A_242, %add3A_241 : i32
        %mul3A_244 = arith.constant 20 : i32
        %mul3A_245 = arith.muli %add3A_243, %mul3A_244 : i32
        %add3A_246 = arith.constant 0 : i32
        %add3A_247 = arith.addi %mul3A_245, %add3A_246 : i32
        %get3A = arith.index_cast %add3A_247 : i32 to index
        %get3A_248 = arith.constant 0 : index
        %get3A_249 = tpu.vector_load %arg8[%get3A, %get3A_248] {strides = array<i32>} : memref<520x16xf32, #tpu.memory_space<vmem>>, vector<1x16xf32>,
        %get3A_250 = vector.shape_cast %get3A_249 : vector<1x16xf32> to vector<16xf32>
        %add3A_251 = arith.constant 1 : i32
        %add3A_252 = arith.addi %mul3A_245, %add3A_251 : i32
        %get3A_253 = arith.index_cast %add3A_252 : i32 to index
        %get3A_254 = arith.constant 0 : index
        %get3A_255 = tpu.vector_load %arg8[%get3A_253, %get3A_254] {strides = array<i32>} : memref<520x16xf32, #tpu.memory_space<vmem>>, vector<1x16xf32>,
        %get3A_256 = vector.shape_cast %get3A_255 : vector<1x16xf32> to vector<16xf32>
        %add3A_257 = arith.constant 2 : i32
        %add3A_258 = arith.addi %mul3A_245, %add3A_257 : i32
        %get3A_259 = arith.index_cast %add3A_258 : i32 to index
        %get3A_260 = arith.constant 0 : index
        %get3A_261 = tpu.vector_load %arg8[%get3A_259, %get3A_260] {strides = array<i32>} : memref<520x16xf32, #tpu.memory_space<vmem>>, vector<1x16xf32>,
        %get3A_262 = vector.shape_cast %get3A_261 : vector<1x16xf32> to vector<16xf32>
        %add3A_263 = arith.constant 3 : i32
        %add3A_264 = arith.addi %mul3A_245, %add3A_263 : i32
        %get3A_265 = arith.index_cast %add3A_264 : i32 to index
        %get3A_266 = arith.constant 0 : index
        %get3A_267 = tpu.vector_load %arg8[%get3A_265, %get3A_266] {strides = array<i32>} : memref<520x16xf32, #tpu.memory_space<vmem>>, vector<1x16xf32>,
        %get3A_268 = vector.shape_cast %get3A_267 : vector<1x16xf32> to vector<16xf32>
        %add3A_269 = arith.constant 4 : i32
        %add3A_270 = arith.addi %mul3A_245, %add3A_269 : i32
        %get3A_271 = arith.index_cast %add3A_270 : i32 to index
        %get3A_272 = arith.constant 0 : index
        %get3A_273 = tpu.vector_load %arg8[%get3A_271, %get3A_272] {strides = array<i32>} : memref<520x16xf32, #tpu.memory_space<vmem>>, vector<1x16xf32>,
        %get3A_274 = vector.shape_cast %get3A_273 : vector<1x16xf32> to vector<16xf32>
        %add3A_275 = arith.constant 5 : i32
        %add3A_276 = arith.addi %mul3A_245, %add3A_275 : i32
        %get3A_277 = arith.index_cast %add3A_276 : i32 to index
        %get3A_278 = arith.constant 0 : index
        %get3A_279 = tpu.vector_load %arg8[%get3A_277, %get3A_278] {strides = array<i32>} : memref<520x16xf32, #tpu.memory_space<vmem>>, vector<1x16xf32>,
        %get3A_280 = vector.shape_cast %get3A_279 : vector<1x16xf32> to vector<16xf32>
        %add3A_281 = arith.constant 6 : i32
        %add3A_282 = arith.addi %mul3A_245, %add3A_281 : i32
        %get3A_283 = arith.index_cast %add3A_282 : i32 to index
        %get3A_284 = arith.constant 0 : index
        %get3A_285 = tpu.vector_load %arg8[%get3A_283, %get3A_284] {strides = array<i32>} : memref<520x16xf32, #tpu.memory_space<vmem>>, vector<1x16xf32>,
        %get3A_286 = vector.shape_cast %get3A_285 : vector<1x16xf32> to vector<16xf32>
        %add3A_287 = arith.constant 7 : i32
        %add3A_288 = arith.addi %mul3A_245, %add3A_287 : i32
        %get3A_289 = arith.index_cast %add3A_288 : i32 to index
        %get3A_290 = arith.constant 0 : index
        %get3A_291 = tpu.vector_load %arg8[%get3A_289, %get3A_290] {strides = array<i32>} : memref<520x16xf32, #tpu.memory_space<vmem>>, vector<1x16xf32>,
        %get3A_292 = vector.shape_cast %get3A_291 : vector<1x16xf32> to vector<16xf32>
        %add3A_293 = arith.constant 8 : i32
        %add3A_294 = arith.addi %mul3A_245, %add3A_293 : i32
        %get3A_295 = arith.index_cast %add3A_294 : i32 to index
        %get3A_296 = arith.constant 0 : index
        %get3A_297 = tpu.vector_load %arg8[%get3A_295, %get3A_296] {strides = array<i32>} : memref<520x16xf32, #tpu.memory_space<vmem>>, vector<1x16xf32>,
        %get3A_298 = vector.shape_cast %get3A_297 : vector<1x16xf32> to vector<16xf32>
        %add3A_299 = arith.constant 9 : i32
        %add3A_300 = arith.addi %mul3A_245, %add3A_299 : i32
        %get3A_301 = arith.index_cast %add3A_300 : i32 to index
        %get3A_302 = arith.constant 0 : index
        %get3A_303 = tpu.vector_load %arg8[%get3A_301, %get3A_302] {strides = array<i32>} : memref<520x16xf32, #tpu.memory_space<vmem>>, vector<1x16xf32>,
        %get3A_304 = vector.shape_cast %get3A_303 : vector<1x16xf32> to vector<16xf32>
        %add3A_305 = arith.constant 10 : i32
        %add3A_306 = arith.addi %mul3A_245, %add3A_305 : i32
        %get3A_307 = arith.index_cast %add3A_306 : i32 to index
        %get3A_308 = arith.constant 0 : index
        %get3A_309 = tpu.vector_load %arg8[%get3A_307, %get3A_308] {strides = array<i32>} : memref<520x16xf32, #tpu.memory_space<vmem>>, vector<1x16xf32>,
        %get3A_310 = vector.shape_cast %get3A_309 : vector<1x16xf32> to vector<16xf32>
        %add3A_311 = arith.constant 11 : i32
        %add3A_312 = arith.addi %mul3A_245, %add3A_311 : i32
        %get3A_313 = arith.index_cast %add3A_312 : i32 to index
        %get3A_314 = arith.constant 0 : index
        %get3A_315 = tpu.vector_load %arg8[%get3A_313, %get3A_314] {strides = array<i32>} : memref<520x16xf32, #tpu.memory_space<vmem>>, vector<1x16xf32>,
        %get3A_316 = vector.shape_cast %get3A_315 : vector<1x16xf32> to vector<16xf32>
        %add3A_317 = arith.constant 12 : i32
        %add3A_318 = arith.addi %mul3A_245, %add3A_317 : i32
        %get3A_319 = arith.index_cast %add3A_318 : i32 to index
        %get3A_320 = arith.constant 0 : index
        %get3A_321 = tpu.vector_load %arg8[%get3A_319, %get3A_320] {strides = array<i32>} : memref<520x16xf32, #tpu.memory_space<vmem>>, vector<1x16xf32>,
        %get3A_322 = vector.shape_cast %get3A_321 : vector<1x16xf32> to vector<16xf32>
        %add3A_323 = arith.constant 13 : i32
        %add3A_324 = arith.addi %mul3A_245, %add3A_323 : i32
        %get3A_325 = arith.index_cast %add3A_324 : i32 to index
        %get3A_326 = arith.constant 0 : index
        %get3A_327 = tpu.vector_load %arg8[%get3A_325, %get3A_326] {strides = array<i32>} : memref<520x16xf32, #tpu.memory_space<vmem>>, vector<1x16xf32>,
        %get3A_328 = vector.shape_cast %get3A_327 : vector<1x16xf32> to vector<16xf32>
        %add3A_329 = arith.constant 14 : i32
        %add3A_330 = arith.addi %mul3A_245, %add3A_329 : i32
        %get3A_331 = arith.index_cast %add3A_330 : i32 to index
        %get3A_332 = arith.constant 0 : index
        %get3A_333 = tpu.vector_load %arg8[%get3A_331, %get3A_332] {strides = array<i32>} : memref<520x16xf32, #tpu.memory_space<vmem>>, vector<1x16xf32>,
        %get3A_334 = vector.shape_cast %get3A_333 : vector<1x16xf32> to vector<16xf32>
        %add3A_335 = arith.constant 15 : i32
        %add3A_336 = arith.addi %mul3A_245, %add3A_335 : i32
        %get3A_337 = arith.index_cast %add3A_336 : i32 to index
        %get3A_338 = arith.constant 0 : index
        %get3A_339 = tpu.vector_load %arg8[%get3A_337, %get3A_338] {strides = array<i32>} : memref<520x16xf32, #tpu.memory_space<vmem>>, vector<1x16xf32>,
        %get3A_340 = vector.shape_cast %get3A_339 : vector<1x16xf32> to vector<16xf32>
        %add3A_341 = arith.constant 16 : i32
        %add3A_342 = arith.addi %mul3A_245, %add3A_341 : i32
        %get3A_343 = arith.index_cast %add3A_342 : i32 to index
        %get3A_344 = arith.constant 0 : index
        %get3A_345 = tpu.vector_load %arg8[%get3A_343, %get3A_344] {strides = array<i32>} : memref<520x16xf32, #tpu.memory_space<vmem>>, vector<1x16xf32>,
        %get3A_346 = vector.shape_cast %get3A_345 : vector<1x16xf32> to vector<16xf32>
        %add3A_347 = arith.constant 17 : i32
        %add3A_348 = arith.addi %mul3A_245, %add3A_347 : i32
        %get3A_349 = arith.index_cast %add3A_348 : i32 to index
        %get3A_350 = arith.constant 0 : index
        %get3A_351 = tpu.vector_load %arg8[%get3A_349, %get3A_350] {strides = array<i32>} : memref<520x16xf32, #tpu.memory_space<vmem>>, vector<1x16xf32>,
        %get3A_352 = vector.shape_cast %get3A_351 : vector<1x16xf32> to vector<16xf32>
        %add3A_353 = arith.constant 18 : i32
        %add3A_354 = arith.addi %mul3A_245, %add3A_353 : i32
        %get3A_355 = arith.index_cast %add3A_354 : i32 to index
        %get3A_356 = arith.constant 0 : index
        %get3A_357 = tpu.vector_load %arg8[%get3A_355, %get3A_356] {strides = array<i32>} : memref<520x16xf32, #tpu.memory_space<vmem>>, vector<1x16xf32>,
        %get3A_358 = vector.shape_cast %get3A_357 : vector<1x16xf32> to vector<16xf32>
        %add3A_359 = arith.constant 19 : i32
        %add3A_360 = arith.addi %mul3A_245, %add3A_359 : i32
        %get3A_361 = arith.index_cast %add3A_360 : i32 to index
        %get3A_362 = arith.constant 0 : index
        %get3A_363 = tpu.vector_load %arg8[%get3A_361, %get3A_362] {strides = array<i32>} : memref<520x16xf32, #tpu.memory_space<vmem>>, vector<1x16xf32>,
        %get3A_364 = vector.shape_cast %get3A_363 : vector<1x16xf32> to vector<16xf32>
        %add3A_365 = arith.addf %get3A_250, %get3A_256 : vector<16xf32>
        %add3A_366 = arith.addf %get3A_262, %get3A_268 : vector<16xf32>
        %add3A_367 = arith.addf %get3A_274, %get3A_280 : vector<16xf32>
        %add3A_368 = arith.addf %get3A_286, %get3A_292 : vector<16xf32>
        %add3A_369 = arith.addf %get3A_298, %get3A_304 : vector<16xf32>
        %add3A_370 = arith.addf %get3A_310, %get3A_316 : vector<16xf32>
        %add3A_371 = arith.addf %get3A_322, %get3A_328 : vector<16xf32>
        %add3A_372 = arith.addf %get3A_334, %get3A_340 : vector<16xf32>
        %add3A_373 = arith.addf %get3A_346, %get3A_352 : vector<16xf32>
        %add3A_374 = arith.addf %get3A_358, %get3A_364 : vector<16xf32>
        %add3A_375 = arith.addf %add3A_365, %add3A_366 : vector<16xf32>
        %add3A_376 = arith.addf %add3A_367, %add3A_368 : vector<16xf32>
        %add3A_377 = arith.addf %add3A_369, %add3A_370 : vector<16xf32>
        %add3A_378 = arith.addf %add3A_371, %add3A_372 : vector<16xf32>
        %add3A_379 = arith.addf %add3A_373, %add3A_374 : vector<16xf32>
        %add3A_380 = arith.addf %add3A_375, %add3A_376 : vector<16xf32>
        %add3A_381 = arith.addf %add3A_377, %add3A_378 : vector<16xf32>
        %add3A_382 = arith.addf %add3A_380, %add3A_381 : vector<16xf32>
        %add3A_383 = arith.addf %add3A_382, %add3A_379 : vector<16xf32>
        %mul3A_384 = arith.constant 16 : i32
        %mul3A_385 = arith.muli %add3A_241, %mul3A_384 : i32
        %swap3A = arith.constant 0 : i32
        %swap3A_386 = arith.index_cast %swap3A : i32 to index
        %swap3A_387 = arith.index_cast %mul3A_385 : i32 to index
        %swap3A_388 = tpu.vector_load %arg10[%swap3A_386, %swap3A_387] {strides = array<i32>} : memref<1x416xf32, #tpu.memory_space<vmem>>, vector<1x16xf32>,
        %swap3A_389 = vector.shape_cast %swap3A_388 : vector<1x16xf32> to vector<16xf32>
        %swap3A_390 = vector.shape_cast %add3A_383 : vector<16xf32> to vector<1x16xf32>
        tpu.vector_store %arg10[%swap3A_386, %swap3A_387], %swap3A_390 {strides = array<i32>} : memref<1x416xf32, #tpu.memory_space<vmem>>, vector<1x16xf32>,
        %mul3A_391 = arith.constant 2 : i32
        %mul3A_392 = arith.muli %scan3A_237, %mul3A_391 : i32
        %add3A_393 = arith.constant 1 : i32
        %add3A_394 = arith.addi %mul3A_392, %add3A_393 : i32
        %add3A_395 = arith.constant 0 : i32
        %add3A_396 = arith.addi %add3A_395, %add3A_394 : i32
        %mul3A_397 = arith.constant 20 : i32
        %mul3A_398 = arith.muli %add3A_396, %mul3A_397 : i32
        %add3A_399 = arith.constant 0 : i32
        %add3A_400 = arith.addi %mul3A_398, %add3A_399 : i32
        %get3A_401 = arith.index_cast %add3A_400 : i32 to index
        %get3A_402 = arith.constant 0 : index
        %get3A_403 = tpu.vector_load %arg8[%get3A_401, %get3A_402] {strides = array<i32>} : memref<520x16xf32, #tpu.memory_space<vmem>>, vector<1x16xf32>,
        %get3A_404 = vector.shape_cast %get3A_403 : vector<1x16xf32> to vector<16xf32>
        %add3A_405 = arith.constant 1 : i32
        %add3A_406 = arith.addi %mul3A_398, %add3A_405 : i32
        %get3A_407 = arith.index_cast %add3A_406 : i32 to index
        %get3A_408 = arith.constant 0 : index
        %get3A_409 = tpu.vector_load %arg8[%get3A_407, %get3A_408] {strides = array<i32>} : memref<520x16xf32, #tpu.memory_space<vmem>>, vector<1x16xf32>,
        %get3A_410 = vector.shape_cast %get3A_409 : vector<1x16xf32> to vector<16xf32>
        %add3A_411 = arith.constant 2 : i32
        %add3A_412 = arith.addi %mul3A_398, %add3A_411 : i32
        %get3A_413 = arith.index_cast %add3A_412 : i32 to index
        %get3A_414 = arith.constant 0 : index
        %get3A_415 = tpu.vector_load %arg8[%get3A_413, %get3A_414] {strides = array<i32>} : memref<520x16xf32, #tpu.memory_space<vmem>>, vector<1x16xf32>,
        %get3A_416 = vector.shape_cast %get3A_415 : vector<1x16xf32> to vector<16xf32>
        %add3A_417 = arith.constant 3 : i32
        %add3A_418 = arith.addi %mul3A_398, %add3A_417 : i32
        %get3A_419 = arith.index_cast %add3A_418 : i32 to index
        %get3A_420 = arith.constant 0 : index
        %get3A_421 = tpu.vector_load %arg8[%get3A_419, %get3A_420] {strides = array<i32>} : memref<520x16xf32, #tpu.memory_space<vmem>>, vector<1x16xf32>,
        %get3A_422 = vector.shape_cast %get3A_421 : vector<1x16xf32> to vector<16xf32>
        %add3A_423 = arith.constant 4 : i32
        %add3A_424 = arith.addi %mul3A_398, %add3A_423 : i32
        %get3A_425 = arith.index_cast %add3A_424 : i32 to index
        %get3A_426 = arith.constant 0 : index
        %get3A_427 = tpu.vector_load %arg8[%get3A_425, %get3A_426] {strides = array<i32>} : memref<520x16xf32, #tpu.memory_space<vmem>>, vector<1x16xf32>,
        %get3A_428 = vector.shape_cast %get3A_427 : vector<1x16xf32> to vector<16xf32>
        %add3A_429 = arith.constant 5 : i32
        %add3A_430 = arith.addi %mul3A_398, %add3A_429 : i32
        %get3A_431 = arith.index_cast %add3A_430 : i32 to index
        %get3A_432 = arith.constant 0 : index
        %get3A_433 = tpu.vector_load %arg8[%get3A_431, %get3A_432] {strides = array<i32>} : memref<520x16xf32, #tpu.memory_space<vmem>>, vector<1x16xf32>,
        %get3A_434 = vector.shape_cast %get3A_433 : vector<1x16xf32> to vector<16xf32>
        %add3A_435 = arith.constant 6 : i32
        %add3A_436 = arith.addi %mul3A_398, %add3A_435 : i32
        %get3A_437 = arith.index_cast %add3A_436 : i32 to index
        %get3A_438 = arith.constant 0 : index
        %get3A_439 = tpu.vector_load %arg8[%get3A_437, %get3A_438] {strides = array<i32>} : memref<520x16xf32, #tpu.memory_space<vmem>>, vector<1x16xf32>,
        %get3A_440 = vector.shape_cast %get3A_439 : vector<1x16xf32> to vector<16xf32>
        %add3A_441 = arith.constant 7 : i32
        %add3A_442 = arith.addi %mul3A_398, %add3A_441 : i32
        %get3A_443 = arith.index_cast %add3A_442 : i32 to index
        %get3A_444 = arith.constant 0 : index
        %get3A_445 = tpu.vector_load %arg8[%get3A_443, %get3A_444] {strides = array<i32>} : memref<520x16xf32, #tpu.memory_space<vmem>>, vector<1x16xf32>,
        %get3A_446 = vector.shape_cast %get3A_445 : vector<1x16xf32> to vector<16xf32>
        %add3A_447 = arith.constant 8 : i32
        %add3A_448 = arith.addi %mul3A_398, %add3A_447 : i32
        %get3A_449 = arith.index_cast %add3A_448 : i32 to index
        %get3A_450 = arith.constant 0 : index
        %get3A_451 = tpu.vector_load %arg8[%get3A_449, %get3A_450] {strides = array<i32>} : memref<520x16xf32, #tpu.memory_space<vmem>>, vector<1x16xf32>,
        %get3A_452 = vector.shape_cast %get3A_451 : vector<1x16xf32> to vector<16xf32>
        %add3A_453 = arith.constant 9 : i32
        %add3A_454 = arith.addi %mul3A_398, %add3A_453 : i32
        %get3A_455 = arith.index_cast %add3A_454 : i32 to index
        %get3A_456 = arith.constant 0 : index
        %get3A_457 = tpu.vector_load %arg8[%get3A_455, %get3A_456] {strides = array<i32>} : memref<520x16xf32, #tpu.memory_space<vmem>>, vector<1x16xf32>,
        %get3A_458 = vector.shape_cast %get3A_457 : vector<1x16xf32> to vector<16xf32>
        %add3A_459 = arith.constant 10 : i32
        %add3A_460 = arith.addi %mul3A_398, %add3A_459 : i32
        %get3A_461 = arith.index_cast %add3A_460 : i32 to index
        %get3A_462 = arith.constant 0 : index
        %get3A_463 = tpu.vector_load %arg8[%get3A_461, %get3A_462] {strides = array<i32>} : memref<520x16xf32, #tpu.memory_space<vmem>>, vector<1x16xf32>,
        %get3A_464 = vector.shape_cast %get3A_463 : vector<1x16xf32> to vector<16xf32>
        %add3A_465 = arith.constant 11 : i32
        %add3A_466 = arith.addi %mul3A_398, %add3A_465 : i32
        %get3A_467 = arith.index_cast %add3A_466 : i32 to index
        %get3A_468 = arith.constant 0 : index
        %get3A_469 = tpu.vector_load %arg8[%get3A_467, %get3A_468] {strides = array<i32>} : memref<520x16xf32, #tpu.memory_space<vmem>>, vector<1x16xf32>,
        %get3A_470 = vector.shape_cast %get3A_469 : vector<1x16xf32> to vector<16xf32>
        %add3A_471 = arith.constant 12 : i32
        %add3A_472 = arith.addi %mul3A_398, %add3A_471 : i32
        %get3A_473 = arith.index_cast %add3A_472 : i32 to index
        %get3A_474 = arith.constant 0 : index
        %get3A_475 = tpu.vector_load %arg8[%get3A_473, %get3A_474] {strides = array<i32>} : memref<520x16xf32, #tpu.memory_space<vmem>>, vector<1x16xf32>,
        %get3A_476 = vector.shape_cast %get3A_475 : vector<1x16xf32> to vector<16xf32>
        %add3A_477 = arith.constant 13 : i32
        %add3A_478 = arith.addi %mul3A_398, %add3A_477 : i32
        %get3A_479 = arith.index_cast %add3A_478 : i32 to index
        %get3A_480 = arith.constant 0 : index
        %get3A_481 = tpu.vector_load %arg8[%get3A_479, %get3A_480] {strides = array<i32>} : memref<520x16xf32, #tpu.memory_space<vmem>>, vector<1x16xf32>,
        %get3A_482 = vector.shape_cast %get3A_481 : vector<1x16xf32> to vector<16xf32>
        %add3A_483 = arith.constant 14 : i32
        %add3A_484 = arith.addi %mul3A_398, %add3A_483 : i32
        %get3A_485 = arith.index_cast %add3A_484 : i32 to index
        %get3A_486 = arith.constant 0 : index
        %get3A_487 = tpu.vector_load %arg8[%get3A_485, %get3A_486] {strides = array<i32>} : memref<520x16xf32, #tpu.memory_space<vmem>>, vector<1x16xf32>,
        %get3A_488 = vector.shape_cast %get3A_487 : vector<1x16xf32> to vector<16xf32>
        %add3A_489 = arith.constant 15 : i32
        %add3A_490 = arith.addi %mul3A_398, %add3A_489 : i32
        %get3A_491 = arith.index_cast %add3A_490 : i32 to index
        %get3A_492 = arith.constant 0 : index
        %get3A_493 = tpu.vector_load %arg8[%get3A_491, %get3A_492] {strides = array<i32>} : memref<520x16xf32, #tpu.memory_space<vmem>>, vector<1x16xf32>,
        %get3A_494 = vector.shape_cast %get3A_493 : vector<1x16xf32> to vector<16xf32>
        %add3A_495 = arith.constant 16 : i32
        %add3A_496 = arith.addi %mul3A_398, %add3A_495 : i32
        %get3A_497 = arith.index_cast %add3A_496 : i32 to index
        %get3A_498 = arith.constant 0 : index
        %get3A_499 = tpu.vector_load %arg8[%get3A_497, %get3A_498] {strides = array<i32>} : memref<520x16xf32, #tpu.memory_space<vmem>>, vector<1x16xf32>,
        %get3A_500 = vector.shape_cast %get3A_499 : vector<1x16xf32> to vector<16xf32>
        %add3A_501 = arith.constant 17 : i32
        %add3A_502 = arith.addi %mul3A_398, %add3A_501 : i32
        %get3A_503 = arith.index_cast %add3A_502 : i32 to index
        %get3A_504 = arith.constant 0 : index
        %get3A_505 = tpu.vector_load %arg8[%get3A_503, %get3A_504] {strides = array<i32>} : memref<520x16xf32, #tpu.memory_space<vmem>>, vector<1x16xf32>,
        %get3A_506 = vector.shape_cast %get3A_505 : vector<1x16xf32> to vector<16xf32>
        %add3A_507 = arith.constant 18 : i32
        %add3A_508 = arith.addi %mul3A_398, %add3A_507 : i32
        %get3A_509 = arith.index_cast %add3A_508 : i32 to index
        %get3A_510 = arith.constant 0 : index
        %get3A_511 = tpu.vector_load %arg8[%get3A_509, %get3A_510] {strides = array<i32>} : memref<520x16xf32, #tpu.memory_space<vmem>>, vector<1x16xf32>,
        %get3A_512 = vector.shape_cast %get3A_511 : vector<1x16xf32> to vector<16xf32>
        %add3A_513 = arith.constant 19 : i32
        %add3A_514 = arith.addi %mul3A_398, %add3A_513 : i32
        %get3A_515 = arith.index_cast %add3A_514 : i32 to index
        %get3A_516 = arith.constant 0 : index
        %get3A_517 = tpu.vector_load %arg8[%get3A_515, %get3A_516] {strides = array<i32>} : memref<520x16xf32, #tpu.memory_space<vmem>>, vector<1x16xf32>,
        %get3A_518 = vector.shape_cast %get3A_517 : vector<1x16xf32> to vector<16xf32>
        %add3A_519 = arith.addf %get3A_404, %get3A_410 : vector<16xf32>
        %add3A_520 = arith.addf %get3A_416, %get3A_422 : vector<16xf32>
        %add3A_521 = arith.addf %get3A_428, %get3A_434 : vector<16xf32>
        %add3A_522 = arith.addf %get3A_440, %get3A_446 : vector<16xf32>
        %add3A_523 = arith.addf %get3A_452, %get3A_458 : vector<16xf32>
        %add3A_524 = arith.addf %get3A_464, %get3A_470 : vector<16xf32>
        %add3A_525 = arith.addf %get3A_476, %get3A_482 : vector<16xf32>
        %add3A_526 = arith.addf %get3A_488, %get3A_494 : vector<16xf32>
        %add3A_527 = arith.addf %get3A_500, %get3A_506 : vector<16xf32>
        %add3A_528 = arith.addf %get3A_512, %get3A_518 : vector<16xf32>
        %add3A_529 = arith.addf %add3A_519, %add3A_520 : vector<16xf32>
        %add3A_530 = arith.addf %add3A_521, %add3A_522 : vector<16xf32>
        %add3A_531 = arith.addf %add3A_523, %add3A_524 : vector<16xf32>
        %add3A_532 = arith.addf %add3A_525, %add3A_526 : vector<16xf32>
        %add3A_533 = arith.addf %add3A_527, %add3A_528 : vector<16xf32>
        %add3A_534 = arith.addf %add3A_529, %add3A_530 : vector<16xf32>
        %add3A_535 = arith.addf %add3A_531, %add3A_532 : vector<16xf32>
        %add3A_536 = arith.addf %add3A_534, %add3A_535 : vector<16xf32>
        %add3A_537 = arith.addf %add3A_536, %add3A_533 : vector<16xf32>
        %mul3A_538 = arith.constant 16 : i32
        %mul3A_539 = arith.muli %add3A_394, %mul3A_538 : i32
        %swap3A_540 = arith.constant 0 : i32
        %swap3A_541 = arith.index_cast %swap3A_540 : i32 to index
        %swap3A_542 = arith.index_cast %mul3A_539 : i32 to index
        %swap3A_543 = tpu.vector_load %arg10[%swap3A_541, %swap3A_542] {strides = array<i32>} : memref<1x416xf32, #tpu.memory_space<vmem>>, vector<1x16xf32>,
        %swap3A_544 = vector.shape_cast %swap3A_543 : vector<1x16xf32> to vector<16xf32>
        %swap3A_545 = vector.shape_cast %add3A_537 : vector<16xf32> to vector<1x16xf32>
        tpu.vector_store %arg10[%swap3A_541, %swap3A_542], %swap3A_545 {strides = array<i32>} : memref<1x416xf32, #tpu.memory_space<vmem>>, vector<1x16xf32>,
      }
      %scan3A_227 = arith.constant 13 : i32
      %mul3A_228 = arith.constant 128 : i32
      %mul3A_229 = arith.muli %add3A, %mul3A_228 : i32
      %mul3A_230 = arith.constant 1 : i32
      %mul3A_231 = arith.muli %add3A_162, %mul3A_230 : i32
      %add3A_232 = arith.addi %mul3A_229, %mul3A_231 : i32
      %dma_start3A_233 = arith.constant 0 : i32
      %dma_start3A_234 = tpu.memref_slice %arg4[%add3A_232, %dma_start3A_233] : memref<4096x416xf32, #tpu.memory_space<hbm>> -> memref<1x416xf32, #tpu.memory_space<hbm>>
      %dma_start3A_235 = arith.constant 0 : i32
      %dma_start3A_236 = tpu.memref_slice %arg4[%add3A_232, %dma_start3A_235] : memref<4096x416xf32, #tpu.memory_space<hbm>> -> memref<1x416xf32, #tpu.memory_space<hbm>>
      tpu.enqueue_dma source(%arg10 : memref<1x416xf32, #tpu.memory_space<vmem>>) target(%dma_start3A_236 : memref<1x416xf32, #tpu.memory_space<hbm>>) target_semaphore(%arg17 : memref<!tpu.dma_semaphore, #tpu.memory_space<semaphore_mem>>)
    }
    %scan3A_69 = arith.constant 64 : i32
    %mul3A_70 = arith.constant 128 : i32
    %mul3A_71 = arith.muli %add3A, %mul3A_70 : i32
    %add3A_72 = arith.constant 126 : i32
    %add3A_73 = arith.addi %mul3A_71, %add3A_72 : i32
    %dma_wait3A_74 = arith.constant 0 : i32
    %dma_wait3A_75 = tpu.memref_slice %arg4[%add3A_73, %dma_wait3A_74] : memref<4096x416xf32, #tpu.memory_space<hbm>> -> memref<1x416xf32, #tpu.memory_space<hbm>>
    %dma_wait3A_76 = arith.constant 0 : i32
    %dma_wait3A_77 = tpu.memref_slice %arg4[%add3A_73, %dma_wait3A_76] : memref<4096x416xf32, #tpu.memory_space<hbm>> -> memref<1x416xf32, #tpu.memory_space<hbm>>
    tpu.wait_dma2 semaphore(%arg16 : memref<!tpu.dma_semaphore, #tpu.memory_space<semaphore_mem>>) src(%arg9 : memref<1x416xf32, #tpu.memory_space<vmem>>) dst(%dma_wait3A_77 : memref<1x416xf32, #tpu.memory_space<hbm>>)
    %mul3A_78 = arith.constant 128 : i32
    %mul3A_79 = arith.muli %add3A, %mul3A_78 : i32
    %add3A_80 = arith.constant 127 : i32
    %add3A_81 = arith.addi %mul3A_79, %add3A_80 : i32
    %dma_wait3A_82 = arith.constant 0 : i32
    %dma_wait3A_83 = tpu.memref_slice %arg4[%add3A_81, %dma_wait3A_82] : memref<4096x416xf32, #tpu.memory_space<hbm>> -> memref<1x416xf32, #tpu.memory_space<hbm>>
    %dma_wait3A_84 = arith.constant 0 : i32
    %dma_wait3A_85 = tpu.memref_slice %arg4[%add3A_81, %dma_wait3A_84] : memref<4096x416xf32, #tpu.memory_space<hbm>> -> memref<1x416xf32, #tpu.memory_space<hbm>>
    tpu.wait_dma2 semaphore(%arg17 : memref<!tpu.dma_semaphore, #tpu.memory_space<semaphore_mem>>) src(%arg10 : memref<1x416xf32, #tpu.memory_space<vmem>>) dst(%dma_wait3A_85 : memref<1x416xf32, #tpu.memory_space<hbm>>)
    return
  }
}

module attributes {stable_mosaic.version = 14 : i64} {
  func.func @body(%arg0: i32, %arg1: memref<16x100000xf32, #tpu.memory_space<vmem>>, %arg2: memref<16x100000xf32, #tpu.memory_space<vmem>>, %arg3: memref<16x100000xf32, #tpu.memory_space<vmem>>) attributes {dimension_semantics = [#tpu.dimension_semantics<arbitrary>], iteration_bounds = array<i64: 1>, scalar_prefetch = 0 : i64, scratch_operands = 0 : i64, tpu.core_type = #tpu.core_type<tc>, window_params = [{pipeline_mode = #tpu.pipeline_mode<synchronous>, transform_indices = @transform_0, window_bounds = array<i64: 16, 100000>}, {pipeline_mode = #tpu.pipeline_mode<synchronous>, transform_indices = @transform_1, window_bounds = array<i64: 16, 100000>}, {pipeline_mode = #tpu.pipeline_mode<synchronous>, transform_indices = @transform_2, window_bounds = array<i64: 16, 100000>}]} {
    %get3A = arith.constant 0 : index
    %get3A_0 = arith.constant 0 : index
    %get3A_1 = vector.load %arg1[%get3A, %get3A_0] : memref<16x100000xf32, #tpu.memory_space<vmem>>, vector<16x100000xf32>
    %get3A_2 = arith.constant 0 : index
    %get3A_3 = arith.constant 0 : index
    %get3A_4 = vector.load %arg2[%get3A_2, %get3A_3] : memref<16x100000xf32, #tpu.memory_space<vmem>>, vector<16x100000xf32>
    %add3A = arith.addf %get3A_1, %get3A_4 : vector<16x100000xf32>
    %swap3A = arith.constant 0 : index
    %swap3A_5 = arith.constant 0 : index
    %swap3A_6 = vector.load %arg3[%swap3A, %swap3A_5] : memref<16x100000xf32, #tpu.memory_space<vmem>>, vector<16x100000xf32>
    tpu.vector_store %arg3[%swap3A, %swap3A_5], %add3A {strides = array<i32>} : memref<16x100000xf32, #tpu.memory_space<vmem>>, vector<16x100000xf32>,
    return
  }
  func.func @transform_0(%arg0: i32) -> (i32, i32) {
    %c0_i32 = arith.constant 0 : i32
    %c0_i32_0 = arith.constant 0 : i32
    %c0_i32_1 = arith.constant 0 : i32
    return %c0_i32, %c0_i32_0 : i32, i32
  }
  func.func @transform_1(%arg0: i32) -> (i32, i32) {
    %c0_i32 = arith.constant 0 : i32
    %c0_i32_0 = arith.constant 0 : i32
    %c0_i32_1 = arith.constant 0 : i32
    return %c0_i32, %c0_i32_0 : i32, i32
  }
  func.func @transform_2(%arg0: i32) -> (i32, i32) {
    %c0_i32 = arith.constant 0 : i32
    %c0_i32_0 = arith.constant 0 : i32
    %c0_i32_1 = arith.constant 0 : i32
    return %c0_i32, %c0_i32_0 : i32, i32
  }
}

module attributes {stable_mosaic.version = 14 : i64} {
  func.func @body(%arg0: i32, %arg1: memref<512x416xf32, #tpu.memory_space<vmem>>, %arg2: memref<1x416xf32, #tpu.memory_space<vmem>>, %arg3: memref<1x416xf32, #tpu.memory_space<vmem>>, %arg4: memref<416x1024xf32, #tpu.memory_space<vmem>>, %arg5: memref<1x1024xf32, #tpu.memory_space<vmem>>, %arg6: memref<1024x512xf32, #tpu.memory_space<vmem>>, %arg7: memref<1x512xf32, #tpu.memory_space<vmem>>, %arg8: memref<512x1xf32, #tpu.memory_space<vmem>>, %arg9: memref<1x1xf32, #tpu.memory_space<vmem>>, %arg10: memref<512x1xf32, #tpu.memory_space<vmem>>) attributes {dimension_semantics = [#tpu.dimension_semantics<arbitrary>], iteration_bounds = array<i64: 8>, scalar_prefetch = 0 : i64, scratch_operands = 0 : i64, tpu.core_type = #tpu.core_type<tc>, window_params = [{transform_indices = @transform_0, window_bounds = array<i64: 512, 416>}, {pipeline_mode = #tpu.pipeline_mode<synchronous>, transform_indices = @transform_1, window_bounds = array<i64: 1, 416>}, {pipeline_mode = #tpu.pipeline_mode<synchronous>, transform_indices = @transform_2, window_bounds = array<i64: 1, 416>}, {pipeline_mode = #tpu.pipeline_mode<synchronous>, transform_indices = @transform_3, window_bounds = array<i64: 416, 1024>}, {pipeline_mode = #tpu.pipeline_mode<synchronous>, transform_indices = @transform_4, window_bounds = array<i64: 1, 1024>}, {pipeline_mode = #tpu.pipeline_mode<synchronous>, transform_indices = @transform_5, window_bounds = array<i64: 1024, 512>}, {pipeline_mode = #tpu.pipeline_mode<synchronous>, transform_indices = @transform_6, window_bounds = array<i64: 1, 512>}, {pipeline_mode = #tpu.pipeline_mode<synchronous>, transform_indices = @transform_7, window_bounds = array<i64: 512, 1>}, {pipeline_mode = #tpu.pipeline_mode<synchronous>, transform_indices = @transform_8, window_bounds = array<i64: 1, 1>}, {transform_indices = @transform_9, window_bounds = array<i64: 512, 1>}]} {
    %get3A = arith.constant 0 : index
    %get3A_0 = arith.constant 0 : index
    %get3A_1 = vector.load %arg1[%get3A, %get3A_0] : memref<512x416xf32, #tpu.memory_space<vmem>>, vector<512x416xf32>
    %reduce_sum3A = arith.constant dense<0.000000e+00> : vector<512xf32>
    %reduce_sum3A_2 = vector.multi_reduction <add>, %get3A_1, %reduce_sum3A [1] : vector<512x416xf32> to vector<512xf32>
    %broadcast_in_dim3A = vector.shape_cast %reduce_sum3A_2 : vector<512xf32> to vector<512x1xf32>
    %div3A = arith.constant 4.160000e+02 : f32
    %div3A_3 = vector.broadcast %div3A : f32 to vector<512x1xf32>
    %div3A_4 = arith.divf %broadcast_in_dim3A, %div3A_3 : vector<512x1xf32>
    %sub3A = vector.broadcast %div3A_4 : vector<512x1xf32> to vector<512x416xf32>
    %sub3A_5 = arith.subf %get3A_1, %sub3A : vector<512x416xf32>
    %integer_pow3A = arith.mulf %sub3A_5, %sub3A_5 : vector<512x416xf32>
    %reduce_sum3A_6 = arith.constant dense<0.000000e+00> : vector<512xf32>
    %reduce_sum3A_7 = vector.multi_reduction <add>, %integer_pow3A, %reduce_sum3A_6 [1] : vector<512x416xf32> to vector<512xf32>
    %broadcast_in_dim3A_8 = vector.shape_cast %reduce_sum3A_7 : vector<512xf32> to vector<512x1xf32>
    %div3A_9 = arith.constant 4.160000e+02 : f32
    %div3A_10 = vector.broadcast %div3A_9 : f32 to vector<512x1xf32>
    %div3A_11 = arith.divf %broadcast_in_dim3A_8, %div3A_10 : vector<512x1xf32>
    %sub3A_12 = vector.broadcast %div3A_4 : vector<512x1xf32> to vector<512x416xf32>
    %sub3A_13 = arith.subf %get3A_1, %sub3A_12 : vector<512x416xf32>
    %add3A = arith.constant 9.99999974E-6 : f32
    %add3A_14 = vector.broadcast %add3A : f32 to vector<512x1xf32>
    %add3A_15 = arith.addf %div3A_11, %add3A_14 : vector<512x1xf32>
    %rsqrt3A = math.rsqrt %add3A_15 : vector<512x1xf32>
    %mul3A = vector.broadcast %rsqrt3A : vector<512x1xf32> to vector<512x416xf32>
    %mul3A_16 = arith.mulf %sub3A_13, %mul3A : vector<512x416xf32>
    %get3A_17 = arith.constant 0 : index
    %get3A_18 = arith.constant 0 : index
    %get3A_19 = vector.load %arg2[%get3A_17, %get3A_18] : memref<1x416xf32, #tpu.memory_space<vmem>>, vector<1x416xf32>
    %mul3A_20 = vector.broadcast %get3A_19 : vector<1x416xf32> to vector<512x416xf32>
    %mul3A_21 = arith.mulf %mul3A_16, %mul3A_20 : vector<512x416xf32>
    %get3A_22 = arith.constant 0 : index
    %get3A_23 = arith.constant 0 : index
    %get3A_24 = vector.load %arg3[%get3A_22, %get3A_23] : memref<1x416xf32, #tpu.memory_space<vmem>>, vector<1x416xf32>
    %add3A_25 = vector.broadcast %get3A_24 : vector<1x416xf32> to vector<512x416xf32>
    %add3A_26 = arith.addf %mul3A_21, %add3A_25 : vector<512x416xf32>
    %get3A_27 = arith.constant 0 : index
    %get3A_28 = arith.constant 0 : index
    %get3A_29 = vector.load %arg4[%get3A_27, %get3A_28] : memref<416x1024xf32, #tpu.memory_space<vmem>>, vector<416x1024xf32>
    %dot_general3A = arith.constant dense<0.000000e+00> : vector<512x1024xf32>
    %dot_general3A_30 = tpu.matmul %add3A_26, %get3A_29, %dot_general3A {dimension_numbers = #tpu.dot_dimension_numbers<[1], [0], [0], [1], [0, 0, 1, 1], [], []>, transpose_lhs_hint = false} : vector<512x416xf32>, vector<416x1024xf32>, vector<512x1024xf32> -> vector<512x1024xf32>
    %get3A_31 = arith.constant 0 : index
    %get3A_32 = arith.constant 0 : index
    %get3A_33 = vector.load %arg5[%get3A_31, %get3A_32] : memref<1x1024xf32, #tpu.memory_space<vmem>>, vector<1x1024xf32>
    %add3A_34 = vector.broadcast %get3A_33 : vector<1x1024xf32> to vector<512x1024xf32>
    %add3A_35 = arith.addf %dot_general3A_30, %add3A_34 : vector<512x1024xf32>
    %max3A = arith.constant 0.000000e+00 : f32
    %max3A_36 = vector.broadcast %max3A : f32 to vector<512x1024xf32>
    %max3A_37 = arith.maximumf %add3A_35, %max3A_36 : vector<512x1024xf32>
    %get3A_38 = arith.constant 0 : index
    %get3A_39 = arith.constant 0 : index
    %get3A_40 = vector.load %arg6[%get3A_38, %get3A_39] : memref<1024x512xf32, #tpu.memory_space<vmem>>, vector<1024x512xf32>
    %dot_general3A_41 = arith.constant dense<0.000000e+00> : vector<512x512xf32>
    %dot_general3A_42 = tpu.matmul %max3A_37, %get3A_40, %dot_general3A_41 {dimension_numbers = #tpu.dot_dimension_numbers<[1], [0], [0], [1], [0, 0, 1, 1], [], []>, transpose_lhs_hint = false} : vector<512x1024xf32>, vector<1024x512xf32>, vector<512x512xf32> -> vector<512x512xf32>
    %get3A_43 = arith.constant 0 : index
    %get3A_44 = arith.constant 0 : index
    %get3A_45 = vector.load %arg7[%get3A_43, %get3A_44] : memref<1x512xf32, #tpu.memory_space<vmem>>, vector<1x512xf32>
    %add3A_46 = vector.broadcast %get3A_45 : vector<1x512xf32> to vector<512x512xf32>
    %add3A_47 = arith.addf %dot_general3A_42, %add3A_46 : vector<512x512xf32>
    %max3A_48 = arith.constant 0.000000e+00 : f32
    %max3A_49 = vector.broadcast %max3A_48 : f32 to vector<512x512xf32>
    %max3A_50 = arith.maximumf %add3A_47, %max3A_49 : vector<512x512xf32>
    %get3A_51 = arith.constant 0 : index
    %get3A_52 = arith.constant 0 : index
    %get3A_53 = vector.load %arg8[%get3A_51, %get3A_52] : memref<512x1xf32, #tpu.memory_space<vmem>>, vector<512x1xf32>
    %dot_general3A_54 = arith.constant dense<0.000000e+00> : vector<512x1xf32>
    %dot_general3A_55 = tpu.matmul %max3A_50, %get3A_53, %dot_general3A_54 {dimension_numbers = #tpu.dot_dimension_numbers<[1], [0], [0], [1], [0, 0, 1, 1], [], []>, transpose_lhs_hint = false} : vector<512x512xf32>, vector<512x1xf32>, vector<512x1xf32> -> vector<512x1xf32>
    %get3A_56 = arith.constant 0 : index
    %get3A_57 = arith.constant 0 : index
    %get3A_58 = vector.load %arg9[%get3A_56, %get3A_57] : memref<1x1xf32, #tpu.memory_space<vmem>>, vector<1x1xf32>
    %add3A_59 = vector.broadcast %get3A_58 : vector<1x1xf32> to vector<512x1xf32>
    %add3A_60 = arith.addf %dot_general3A_55, %add3A_59 : vector<512x1xf32>
    %logistic3A = arith.negf %add3A_60 : vector<512x1xf32>
    %logistic3A_61 = math.exp %logistic3A : vector<512x1xf32>
    %logistic3A_62 = arith.constant 1.000000e+00 : f32
    %logistic3A_63 = vector.broadcast %logistic3A_62 : f32 to vector<512x1xf32>
    %logistic3A_64 = arith.addf %logistic3A_63, %logistic3A_61 : vector<512x1xf32>
    %logistic3A_65 = arith.divf %logistic3A_63, %logistic3A_64 : vector<512x1xf32>
    %swap3A = arith.constant 0 : index
    %swap3A_66 = arith.constant 0 : index
    %swap3A_67 = vector.load %arg10[%swap3A, %swap3A_66] : memref<512x1xf32, #tpu.memory_space<vmem>>, vector<512x1xf32>
    tpu.vector_store %arg10[%swap3A, %swap3A_66], %logistic3A_65 {strides = array<i32>} : memref<512x1xf32, #tpu.memory_space<vmem>>, vector<512x1xf32>,
    return
  }
  func.func @transform_0(%arg0: i32) -> (i32, i32) {
    %c0_i32 = arith.constant 0 : i32
    %c0_i32_0 = arith.constant 0 : i32
    return %arg0, %c0_i32 : i32, i32
  }
  func.func @transform_1(%arg0: i32) -> (i32, i32) {
    %c0_i32 = arith.constant 0 : i32
    %c0_i32_0 = arith.constant 0 : i32
    %c0_i32_1 = arith.constant 0 : i32
    return %c0_i32, %c0_i32_0 : i32, i32
  }
  func.func @transform_2(%arg0: i32) -> (i32, i32) {
    %c0_i32 = arith.constant 0 : i32
    %c0_i32_0 = arith.constant 0 : i32
    %c0_i32_1 = arith.constant 0 : i32
    return %c0_i32, %c0_i32_0 : i32, i32
  }
  func.func @transform_3(%arg0: i32) -> (i32, i32) {
    %c0_i32 = arith.constant 0 : i32
    %c0_i32_0 = arith.constant 0 : i32
    %c0_i32_1 = arith.constant 0 : i32
    return %c0_i32, %c0_i32_0 : i32, i32
  }
  func.func @transform_4(%arg0: i32) -> (i32, i32) {
    %c0_i32 = arith.constant 0 : i32
    %c0_i32_0 = arith.constant 0 : i32
    %c0_i32_1 = arith.constant 0 : i32
    return %c0_i32, %c0_i32_0 : i32, i32
  }
  func.func @transform_5(%arg0: i32) -> (i32, i32) {
    %c0_i32 = arith.constant 0 : i32
    %c0_i32_0 = arith.constant 0 : i32
    %c0_i32_1 = arith.constant 0 : i32
    return %c0_i32, %c0_i32_0 : i32, i32
  }
  func.func @transform_6(%arg0: i32) -> (i32, i32) {
    %c0_i32 = arith.constant 0 : i32
    %c0_i32_0 = arith.constant 0 : i32
    %c0_i32_1 = arith.constant 0 : i32
    return %c0_i32, %c0_i32_0 : i32, i32
  }
  func.func @transform_7(%arg0: i32) -> (i32, i32) {
    %c0_i32 = arith.constant 0 : i32
    %c0_i32_0 = arith.constant 0 : i32
    %c0_i32_1 = arith.constant 0 : i32
    return %c0_i32, %c0_i32_0 : i32, i32
  }
  func.func @transform_8(%arg0: i32) -> (i32, i32) {
    %c0_i32 = arith.constant 0 : i32
    %c0_i32_0 = arith.constant 0 : i32
    %c0_i32_1 = arith.constant 0 : i32
    return %c0_i32, %c0_i32_0 : i32, i32
  }
  func.func @transform_9(%arg0: i32) -> (i32, i32) {
    %c0_i32 = arith.constant 0 : i32
    %c0_i32_0 = arith.constant 0 : i32
    return %arg0, %c0_i32 : i32, i32
  }
}

</mosaic_0001>

<sc_bundles>
// kernel: kernel.5.cloned.1.call-start
scs
__scs_entry_jumppad:
0x0: {  	(pc) =	sbr.rel $0x88, $3  }
0x1: {  	(tag) =	ssettag $0x0;
	lr =	simm.s32 $0x1  }
0x2: {  	[smem:$0x3F96] =	sst lr;
	_ =	strace $0xD0000000  }
0x3: {  	_ = 	snop  }
0x4: {  	_ = 	snop  }
0x5: {  	_ = 	snop  }
0x6: {  	_ = 	snop  }
0x7: {  	_ = 	snop  }
__scs_overlays_trampoline_lowered:
0x8: {  	[smem:$0x3FA5] =	sst s0  }
0x9: {  	[smem:$0x3FA6] =	sst s1  }
0xa: {  	[smem:$0x3FA7] =	sst s2  }
0xb: {  	[smem:$0x3FA8] =	sst s3  }
0xc: {  	[smem:$0x3FA9] =	sst s4  }
0xd: {  	[smem:$0x3FAA] =	sst s5  }
0xe: {  	[smem:$0x3FAB] =	sst s6  }
0xf: {  	[smem:$0x3FAC] =	sst s7  }
0x10: {  	[smem:$0x3FAD] =	sst s8  }
0x11: {  	[smem:$0x3FAE] =	sst s9;
	s0 =	simm.s32 @!p0 $0x0  }
0x12: {  	s1 =	sld [smem:$0x3F94];
	s0 =	simm.s32 @p0 $0x1  }
0x13: {  	[smem:$0x3FAF] =	sst s0;
	s0 =	simm.s32 @!p1 $0x0  }
0x14: {  	s2 =	sld [smem:$0x3F93];
	s0 =	simm.s32 @p1 $0x1  }
0x15: {  	[smem:$0x3FB0] =	sst s0;
	s0 =	simm.s32 @!p2 $0x0  }
0x16: {  	s3 =	sld [smem:$0x3FDB];
	s0 =	simm.s32 @p2 $0x1  }
0x17: {  	s4 =	simm.s32 $0x1BF5;
	[smem:$0x3FB2] =	sst s0  }
0x18: {  	s0 =	sld [smem:$0x3F95];
	_ =	swait.ge [sflag:s4], $0x0  }
0x19: {  	s7 =	sld [smem:$0x3F96]  }
0x1a: {  	s8 =	sadd.s32 $0xFFFFE003, lr  }
0x1b: {  	s9 =	sadd.s32 $0xFFFFFEF7, lr;
	s5 =	simm.s32 $0xFFFFFFFF;
	p2 =	slt.u32 s8, $0xFFFFF086  }
0x1c: {  	p1 =	slt.u32 s9, $0xF7A;
	s5 =	simm.s32 @!p2 $0x0  }
0x1d: {  	s5 =	simm.s32 @p1 $0x1;
	p0 =	seq.s32 s7, s2  }
0x1e: {  	s7 =	smul.u32 @!p0 $0xF7A, s2;
	p2 =	seq.s32 @!p0 s5, $0x0  }
0x1f: {  	s9 =	smul.u32 $0xF7A, s1;
	s8 =	simm.s32 @!p0 $0x1BF5;
	p2 =	por !p2, p0  }
0x20: {  	[sflag:s8] =	ssyncset.s32 @!p0 $0xFFFFF086;
	s6 =	sadd.s32 @!p0 s3, s7;
	s7 =	simm.s32 @!p0 $0x108  }
0x21: {  	s3 =	sadd.s32 s3, s9;
	s6 =	sadd.s32 @!p0 $0x88, s6;
	s7 =	simm.s32 @p2 $0x1082  }
0x22: {  	[simem:s7], [sflag:s8] =	dma.local @!p0 [hbm:s6], $0xF7A  }
0x23: {  	s9 =	sor.u32 $0xD0000000, s2;
	s6 =	simm.s32 $0x108;
	_ =	swait.ge @!p0 [sflag:s8], $0x0  }
0x24: {  	s3 =	sadd.s32 $0x88, s3;
	s6 =	simm.s32 @!p1 $0x1082;
	[sflag:s4] =	ssyncset.s32 $0xFFFFF086  }
0x25: {  	[simem:s6], [sflag:s4] =	dma.local [hbm:s3], $0xF7A  }
0x26: {  	[smem:$0x3F96] =	sst s1;
	(tag) =	ssettag s2;
	_ =	strace s9  }
0x27: {  	s1 =	sld [smem:$0x3FA6]  }
0x28: {  	s2 =	sld [smem:$0x3FA7]  }
0x29: {  	s4 =	sld [smem:$0x3FA9]  }
0x2a: {  	p0 =	seq.s32 s5, $0x0;
	s5 =	sld [smem:$0x3FAA]  }
0x2b: {  	s6 =	sld [smem:$0x3FAB]  }
0x2c: {  	s7 =	sld [smem:$0x3FAC]  }
0x2d: {  	s3 =	simm.s32 $0x108;
	s8 =	sld [smem:$0x3FAD]  }
0x2e: {  	s3 =	simm.s32 @!p0 $0x1082;
	s9 =	sld [smem:$0x3FAE]  }
0x2f: {  	lr =	sadd.s32 s0, s3;
	s0 =	sld [smem:$0x3FA5]  }
0x30: {  	s3 =	sld [smem:$0x3FA8]  }
0x31: {  	[smem:$0x3FB1] =	sst s10  }
0x32: {  	s10 =	sld [smem:$0x3FAF];
	_ =	sdelay $0x3  }
0x33: {  	p0 =	seq.s32 s10, $0x1;
	s10 =	sld [smem:$0x3FB1];
	_ =	sdelay $0x3  }
0x34: {  	[smem:$0x3FB1] =	sst s10  }
0x35: {  	s10 =	sld [smem:$0x3FB0];
	_ =	sdelay $0x3  }
0x36: {  	p1 =	seq.s32 s10, $0x1;
	s10 =	sld [smem:$0x3FB1];
	_ =	sdelay $0x3  }
0x37: {  	[smem:$0x3FB1] =	sst s10  }
0x38: {  	s10 =	sld [smem:$0x3FB2]  }
0x39: {  	_ = 	snop;
	(pc) =	sbr.ind lr, $3  }
0x3a: {  	_ = 	snop  }
0x3b: {  	_ = 	snop  }
0x3c: {  	p2 =	seq.s32 s10, $0x1;
	s10 =	sld [smem:$0x3FB1]  }
0x3d: {  	_ =	shalt  }
0x3e: {  	_ =	shalt  }
0x3f: {  	_ =	shalt  }
0x40: {  	_ =	shalt  }
0x41: {  	_ =	shalt  }
0x42: {  	_ =	shalt  }
0x43: {  	_ =	shalt  }
0x44: {  	_ =	shalt  }
0x45: {  	_ =	shalt  }
0x46: {  	_ =	shalt  }
0x47: {  	_ =	shalt  }
0x48: {  	_ =	shalt  }
0x49: {  	_ =	shalt  }
0x4a: {  	_ =	shalt  }
0x4b: {  	_ =	shalt  }
0x4c: {  	_ =	shalt  }
0x4d: {  	_ =	shalt  }
0x4e: {  	_ =	shalt  }
0x4f: {  	_ =	shalt  }
0x50: {  	_ =	shalt  }
0x51: {  	_ =	shalt  }
0x52: {  	_ =	shalt  }
0x53: {  	_ =	shalt  }
0x54: {  	_ =	shalt  }
0x55: {  	_ =	shalt  }
0x56: {  	_ =	shalt  }
0x57: {  	_ =	shalt  }
0x58: {  	_ =	shalt  }
0x59: {  	_ =	shalt  }
0x5a: {  	_ =	shalt  }
0x5b: {  	_ =	shalt  }
0x5c: {  	_ =	shalt  }
0x5d: {  	_ =	shalt  }
0x5e: {  	_ =	shalt  }
0x5f: {  	_ =	shalt  }
0x60: {  	_ =	shalt  }
0x61: {  	_ =	shalt  }
0x62: {  	_ =	shalt  }
0x63: {  	_ =	shalt  }
0x64: {  	_ =	shalt  }
0x65: {  	_ =	shalt  }
0x66: {  	_ =	shalt  }
0x67: {  	_ =	shalt  }
0x68: {  	_ =	shalt  }
0x69: {  	_ =	shalt  }
0x6a: {  	_ =	shalt  }
0x6b: {  	_ =	shalt  }
0x6c: {  	_ =	shalt  }
0x6d: {  	_ =	shalt  }
0x6e: {  	_ =	shalt  }
0x6f: {  	_ =	shalt  }
0x70: {  	_ =	shalt  }
0x71: {  	_ =	shalt  }
0x72: {  	_ =	shalt  }
0x73: {  	_ =	shalt  }
0x74: {  	_ =	shalt  }
0x75: {  	_ =	shalt  }
0x76: {  	_ =	shalt  }
0x77: {  	_ =	shalt  }
0x78: {  	_ =	shalt  }
0x79: {  	_ =	shalt  }
0x7a: {  	_ =	shalt  }
0x7b: {  	_ =	shalt  }
0x7c: {  	_ =	shalt  }
0x7d: {  	_ =	shalt  }
0x7e: {  	_ =	shalt  }
0x7f: {  	_ =	shalt  }
0x80: {  	_ =	shalt  }
0x81: {  	_ =	shalt  }
0x82: {  	_ =	shalt  }
0x83: {  	_ =	shalt  }
0x84: {  	_ =	shalt  }
0x85: {  	_ =	shalt  }
0x86: {  	_ =	shalt  }
0x87: {  	_ =	shalt  }
.Lfunc_end0:
.L_simem_size_0:
called_computation_lowered:
.L_overlay_start_0:
0x88: {  	s2 =	sld [smem:$0x3FD9]  }
0x89: {  	s3 =	sld [smem:$0x3FFE];
	_ =	sdelay $0x1  }
0x8a: {  	s1 =	srdreg.scid  }
0x8b: {  	s0 =	sand.u32 $0x1, s1  }
0x8c: {  	s16 =	sshll.u32 s0, $0xA;
	s2 =	sadd.s32 s3, s2  }
0x8d: {  	s2 =	sadd.s32 s2, s16  }
0x8e: {  	[smem:$0x3FBD] =	sst s2  }
0x8f: {  	_ = 	snop  }
0x90: {  	(tm) =	ssettm $0x1  }
0x91: {  	s17 =	sld [smem:$0x3FFB];
	_ =	sdelay $0x3  }
0x92: {  	_ =	strace s17  }
0x93: {  	s2 =	sld [smem:$0x3FFC];
	_ =	sdelay $0x3  }
0x94: {  	_ =	strace s2  }
0x95: {  	s2 =	sld [smem:$0x3FFD];
	_ =	sdelay $0x3  }
0x96: {  	_ =	strace s2  }
0x97: {  	_ =	strace $0x8FFFFFFF  }
0x98: {  	s18 =	sld [smem:$0x3FDB];
	_ =	sdelay $0x1  }
0x99: {  	s19 =	simm.s32 $_scs_section_size  }
0x9a: {  	s4 =	simm.s32 $_size__tile_overlayer_lowered;
	s5 =	simm.s32 $_tile_overlayer_lowered  }
0x9b: {  	s22 =	simm.s32 $0x1BFF;
	s21 =	sshll.u32 s5, $0x1;
	s2 =	sadd.s32 s19, s18  }
0x9c: {  	s6 =	simm.s32 $0x0;
	s20 =	sshll.u32 s4, $0x1;
	s4 =	sadd.s32 s21, s2  }
0x9d: {  	[timem:s6], [sflag:s22] =	dma.local [hbm:s4], s20  }
0x9e: {  	_ =	swait.ge [sflag:s22], s20  }
0x9f: {  	s3 =	ssub.s32 $0x0, s20;
	[sflag:s22] =	ssyncset.done $0x0  }
0xa0: {  	[sflag:s22] =	ssyncadd.s32 s3;
	_ =	sdelay $0x1  }
0xa1: {  	s23 =	simm.s32 $0x1B8B  }
0xa2: {  	_ =	swait.ge [sflag:s23], $0x1  }
0xa3: {  	[sflag:s23] =	ssyncset.done $0x0  }
0xa4: {  	s25 =	simm.s32 $0x1B8E;
	s24 =	sld [smem:$0x3FFE];
	[sflag:s23] =	ssyncadd.s32 $0xFFFFFFFF  }
0xa5: {  	s26 =	simm.s32 $execute0_lowered;
	[smem:$0x3FD2] =	sst s25  }
0xa6: {  	s4 =	sshll.u32 s26, $0x1;
	_ =	strace $0x80000046;
	[dreg:$0x1] =	wrdreg $0xFFFFFFFF  }
0xa7: {  	s28 =	simm.s32 $_size_execute0_lowered;
	s2 =	sadd.s32 s2, s4;
	[dreg:$0x0] =	wrdreg $0x0  }
0xa8: {  	s4 =	sshll.u32 s28, $0x1;
	[dreg:$0x2] =	wrdreg s2  }
0xa9: {  	[dreg:$0x3] =	wrdreg s4  }
0xaa: {  	[dreg:$0x4] =	wrdreg $0xC0  }
0xab: {  	_ =	task [dreg:s6], $0x5FFFF  }
0xac: {  	[dreg:$0x1] =	wrdreg $0xFFFFFFFF  }
0xad: {  	[dreg:$0x0] =	wrdreg $0x60  }
0xae: {  	[dreg:$0x2] =	wrdreg s24  }
0xaf: {  	[dreg:$0x3] =	wrdreg $0x48500  }
0xb0: {  	[dreg:$0x4] =	wrdreg $0x9  }
0xb1: {  	_ =	task.clear_ibuf [dreg:s6], $0x5FFFF;
	_ =	strace $0x90000046  }
0xb2: {  	s29 =	simm.s32 $0x9;
	_ =	strace $0x80000048  }
0xb3: {  	_ =	swait.ge [sflag:s29], $0x1  }
0xb4: {  	[sflag:s29] =	ssyncadd.s32 $0xFFFFFFFF  }
0xb5: {  	_ =	strace $0x90000048  }
0xb6: {  	_ =	sfence  }
0xb7: {  	s30 =	sld [smem:$0x0];
	_ =	sdelay $0x2  }
0xb8: {  	s31 =	sshll.u32 s1, $0xD;
	s1 =	sshrl.u32 s1, $0x2  }
0xb9: {  	s3 =	sand.u32 $0x4000, s31;
	s1 =	sadd.s32 s1, s30  }
0xba: {  	s0 =	sor.u32 s3, s0;
	s1 =	sshll.u32 s1, $0x11  }
0xbb: {  	s0 =	sor.u32 s1, s0  }
0xbc: {  	s0 =	sadd.s32 $0x8F2B, s0  }
0xbd: {  	[sflag:s0] =	ssyncadd.remote.s32 $0x1  }
0xbe: {  	_ =	sfence.sel $0xFFFF  }
0xbf: {  	[dreg:$0x0] =	wrdreg $0xFFFFFFFF;
	(pc) =	sbr.abs _section_cstart, $3  }
0xc0: {  	[dreg:$0x1] =	wrdreg $0xFFFFFFFF  }
0xc1: {  	_ =	task.clear_ibuf [dreg:s6], $0x2FFFF;
	_ =	strace $0x9FFFFFFF  }
0xc2: {  	(tm) =	ssettm $0x7FFFFFFF  }
0xc3: {  	_ =	shalt  }
tec
execute0_lowered:
.L_overlay_start_1:
0x0: {  	(tag) =	ssettag $0x1  }
0x1: {  	s0 =	rddreg [dreg:$0x0]  }
0x2: {  	s2 =	rddreg [dreg:$0x1]  }
0x3: {  	s3 =	simm.s32 $0x0;
	s11 =	stileid.u32;
	s1 =	srdreg.scid  }
0x4: {  	s14 =	simm.s32 $0x208;
	s18 =	simm.s32 $0x68;
	s28 =	simm.s32 $0x1  }
0x5: {  	s29 =	simm.s32 $0x4;
	s31 =	simm.s32 $0x270;
	s19 =	simm.s32 $0x3190  }
0x6: {  	s20 =	simm.s32 $0x340;
	s21 =	simm.s32 $0x3810;
	[smem:$0x7FF] =	sst s3  }
0x7: {  	s6 =	smul.u32 $0x186A0, s11;
	s1 =	sand.u32 $0x1, s1;
	s4 =	sshll.u32 s11, $0x1  }
0x8: {  	s5 =	sadd.s32 $0x1B8E00, s0;
	s25 =	sshll.u32 s11, $0x6;
	_ =	strace $0x80000047  }
0x9: {  	s7 =	sor.u32 s1, s4;
	s1 =	ssub.s32 $0x2, s1;
	s4 =	sadd.s32 $0x201600, s0  }
0xa: {  	s22 =	sshrl.u32 s6, $0x3;
	s8 =	smul.u32 $0x2080, s7;
	s10 =	sshrl.u32 s1, $0x1  }
0xb: {  	s7 =	sshll.u32 s7, $0x7;
	s6 =	sadd.s32 s6, s2;
	s9 =	sadd.s32 s22, s0  }
0xc: {  	s23 =	ssub.s32 s1, s10;
	s11 =	sor.u32 $0x2, s7;
	s12 =	sor.u32 $0x3, s7  }
0xd: {  	s30 =	sshrl.u32 s6, $0x3;
	s22 =	simm.s32 $0x3A8;
	s24 =	sadd.s32 s4, s8  }
0xe: {  	s26 =	sadd.s32 $0x188000, s9;
	s0 =	smax.u32 s23, $0x1;
	[dreg:$0x8] =	wrdreg s30  }
0xf: {  	s23 =	simm.s32 $0x3E90;
	s9 =	simm.s32 $0x6;
	[dreg:$0x3] =	wrdreg s24  }
0x10: {  	s8 =	simm.s32 $0x0;
	s1 =	sadd.s32 $0x41, s24;
	[dreg:$0x5] =	wrdreg s26  }
0x11: {  	[dreg:$0x7] =	wrdreg s0;
	s0 =	simm.s32 $0x2B10;
	s24 =	simm.s32 $0x4510  }
0x12: {  	s26 =	simm.s32 $0x46B0;
	[dreg:$0x4] =	wrdreg s1;
	s1 =	sor.u32 $0x1C07, s25  }
0x13: {  	s25 =	simm.s32 $0x2;
	[dreg:$0x6] =	wrdreg s1;
	s1 =	simm.s32 $0x2D8  }
.LBB2_1:
0x14: {  	[dreg:$0x9] =	wrdreg s8  }
0x15: {  	s6 =	rddreg [dreg:$0x3]  }
0x16: {  	s10 =	rddreg [dreg:$0x4]  }
0x17: {  	s13 =	rddreg [dreg:$0x5]  }
0x18: {  	[tilespmem:s3], [sflag:$0x3] =	stream.linear.gather [hbm4b:s6+s3], $0x208, $0x38;
	[tilespmem:$0x1CEF0] =	vst v63  }
0x19: {  	s15 =	rddreg [dreg:$0x6]  }
0x1a: {  	[tilespmem:s14], [sflag:$0x4] =	stream.linear.gather [hbm4b:s10+s3], $0x208, $0x38;
	[tilespmem:$0x1CEF0] =	vst v63  }
0x1b: {  	s16 =	simm.s32 $0x7;
	s10 =	rddreg [dreg:$0x8]  }
0x1c: {  	[spmem:s10], [sflag:s15] =	dma.local [hbm:s13], $0x30D4  }
0x1d: {  	_ =	swait.ge [sflag:s16], $0x30D4  }
0x1e: {  	[sflag:s16] =	ssyncset.done $0x0  }
0x1f: {  	[sflag:s16] =	ssyncadd.s32 $0xFFFFCF2C  }
0x20: {  	s17 =	simm.s32 $0x3;
	[bflag:$0x0] =	sbarrier.arrive $0xFFFF  }
0x21: {  	_ =	swait.ge [sflag:s17], $0x208  }
0x22: {  	[sflag:s17] =	ssyncset.done $0x0  }
0x23: {  	s30 =	simm.s32 $0x410;
	[sflag:s17] =	ssyncadd.s32 $0xFFFFFDF8  }
0x24: {  	[tilespmem:s30], [sflag:$0x1] =	stream.indirect.gather [spmem:s2], $0x10, s3, s18, $0xb8;
	[tilespmem:$0x1CEF0] =	vst v63  }
0x25: {  	s8 =	simm.s32 $0xA90  }
0x26: {  	[tilespmem:s8], [sflag:$0x1] =	stream.indirect.gather [spmem:s2], $0x10, s18, s18, $0xb8;
	[tilespmem:$0x1CEF0] =	vst v63  }
0x27: {  	s10 =	simm.s32 $0xD0;
	s13 =	simm.s32 $0x1110  }
0x28: {  	[tilespmem:s13], [sflag:$0x1] =	stream.indirect.gather [spmem:s2], $0x10, s10, s18, $0xb8;
	[tilespmem:$0x1CEF0] =	vst v63  }
0x29: {  	s15 =	simm.s32 $0x138;
	s16 =	simm.s32 $0x1790  }
0x2a: {  	[tilespmem:s16], [sflag:$0x1] =	stream.indirect.gather [spmem:s2], $0x10, s15, s18, $0xb8;
	[tilespmem:$0x1CEF0] =	vst v63  }
0x2b: {  	s17 =	simm.s32 $0x1A0;
	s30 =	simm.s32 $0x1E10;
	s13 =	simm.s32 $0x0  }
0x2c: {  	[tilespmem:s30], [sflag:$0x1] =	stream.indirect.gather [spmem:s2], $0x10, s17, s18, $0xb8;
	[tilespmem:$0x1CEF0] =	vst v63  }
.LBB2_2:
0x2d: {  	_ =	swait.ge [sflag:s28], $0x680  }
0x2e: {  	[sflag:s28] =	ssyncset.done $0x0  }
0x2f: {  	[sflag:s28] =	ssyncadd.s32 $0xFFFFF980  }
0x30: {  	_ =	swait.ge [sflag:s28], $0x680  }
0x31: {  	[sflag:s28] =	ssyncset.done $0x0  }
0x32: {  	[sflag:s28] =	ssyncadd.s32 $0xFFFFF980  }
0x33: {  	_ =	swait.ge [sflag:s28], $0x680  }
0x34: {  	[sflag:s28] =	ssyncset.done $0x0  }
0x35: {  	[sflag:s28] =	ssyncadd.s32 $0xFFFFF980  }
0x36: {  	_ =	swait.ge [sflag:s28], $0x680  }
0x37: {  	s6 =	sshll.u32 s13, $0x1;
	p0 =	seq.s32 s13, $0x3F;
	[sflag:s28] =	ssyncset.done $0x0  }
0x38: {  	s8 =	sadd.s32 @!p0 s6, s11;
	[sflag:s28] =	ssyncadd.s32 $0xFFFFF980  }
0x39: {  	s8 =	smul.u32 @!p0 $0x41, s8;
	_ =	swait.ge [sflag:s28], $0x680  }
0x3a: {  	[sflag:s28] =	ssyncset.done $0x0  }
0x3b: {  	s10 =	simm.s32 @!p0 $0x0;
	s8 =	sadd.s32 @!p0 s4, s8;
	[sflag:s28] =	ssyncadd.s32 $0xFFFFF980  }
0x3c: {  	[tilespmem:s10], [sflag:$0x3] =	stream.linear.gather @!p0 [hbm4b:s8+s10], $0x208, $0x38;
	[tilespmem:$0x1CEF0] =	vst v63  }
0x3d: {  	_ =	swait.ge [sflag:s29], $0x208  }
0x3e: {  	[sflag:s29] =	ssyncset.done $0x0  }
0x3f: {  	s30 =	simm.s32 $0x2490;
	[sflag:s29] =	ssyncadd.s32 $0xFFFFFDF8  }
0x40: {  	[tilespmem:s30], [sflag:$0x2] =	stream.indirect.gather [spmem:s2], $0x10, s14, s18, $0xb8;
	[tilespmem:$0x1CEF0] =	vst v63  }
0x41: {  	_ = 	snop  }
0x42: {  	[tilespmem:s0], [sflag:$0x2] =	stream.indirect.gather [spmem:s2], $0x10, s31, s18, $0xb8;
	[tilespmem:$0x1CEF0] =	vst v63  }
0x43: {  	_ = 	snop  }
0x44: {  	[tilespmem:s19], [sflag:$0x2] =	stream.indirect.gather [spmem:s2], $0x10, s1, s18, $0xb8;
	[tilespmem:$0x1CEF0] =	vst v63  }
0x45: {  	p1 =	seq.s32 s13, $0x0  }
0x46: {  	[tilespmem:s21], [sflag:$0x2] =	stream.indirect.gather [spmem:s2], $0x10, s20, s18, $0xb8;
	[tilespmem:$0x1CEF0] =	vst v63  }
0x47: {  	s8 =	simm.s32 @!p1 $0x5  }
0x48: {  	[tilespmem:s23], [sflag:$0x2] =	stream.indirect.gather [spmem:s2], $0x10, s22, s18, $0xb8;
	[tilespmem:$0x1CEF0] =	vst v63  }
0x49: {  	_ =	swait.ge @!p1 [sflag:s8], $0x1A0  }
0x4a: {  	[sflag:s8] =	ssyncset.done @!p1 $0x0  }
0x4b: {  	s16 =	simm.s32 $0x550;
	[sflag:s8] =	ssyncadd.s32 @!p1 $0xFFFFFE60  }
0x4c: {  	v0 =	vld [tilespmem:s16+$0xFFFFFF90]  }
0x4d: {  	v1 =	vld [tilespmem:s16+$0xFFFFFFB0]  }
0x4e: {  	v2 =	vld [tilespmem:s16+$0xFFFFFF60]  }
0x4f: {  	v3 =	vld [tilespmem:s16+$0xFFFFFF50]  }
0x50: {  	v4 =	vld [tilespmem:s16+$0xFFFFFF70]  }
0x51: {  	v5 =	vld [tilespmem:s16+$0xFFFFFF80]  }
0x52: {  	v6 =	vld [tilespmem:s16+$0xFFFFFFA0]  }
0x53: {  	v7 =	vld [tilespmem:s16+$0xFFFFFEC0]  }
0x54: {  	v8 =	vld [tilespmem:s16+$0xFFFFFF40]  }
0x55: {  	v9 =	vld [tilespmem:s16+$0xFFFFFF30]  }
0x56: {  	v10 =	vld [tilespmem:s16+$0xFFFFFF20]  }
0x57: {  	v11 =	vld [tilespmem:s16+$0xFFFFFF10]  }
0x58: {  	v12 =	vld [tilespmem:s16+$0xFFFFFF00]  }
0x59: {  	v13 =	vld [tilespmem:s16+$0xFFFFFEF0]  }
0x5a: {  	v14 =	vld [tilespmem:s16+$0xFFFFFEE0]  }
0x5b: {  	v15 =	vld [tilespmem:s16+$0xFFFFFED0];
	_ =	sdelay $0x1  }
0x5c: {  	v16 =	vld [tilespmem:s16+$0xFFFFFFE0];
	v2 =	vadd.f32 v4, v2;
	v1 =	vadd.f32 v1, v6  }
0x5d: {  	v4 =	vld [tilespmem:s16+$0xFFFFFFF0];
	v3 =	vadd.f32 v3, v8;
	v6 =	vadd.f32 v9, v10  }
0x5e: {  	v8 =	vld [tilespmem:s16+$0xFFFFFFD0];
	v9 =	vadd.f32 v11, v12;
	v0 =	vadd.f32 v0, v5  }
0x5f: {  	v5 =	vld [tilespmem:s16+$0xFFFFFFC0];
	v10 =	vadd.f32 v13, v14;
	v7 =	vadd.f32 v15, v7  }
0x60: {  	v2 =	vadd.f32 v2, v3;
	v0 =	vadd.f32 v1, v0  }
0x61: {  	v1 =	vadd.f32 v6, v9;
	v3 =	vadd.f32 v10, v7;
	_ =	sdelay $0x1  }
0x62: {  	v0 =	vadd.f32 v0, v2;
	v1 =	vadd.f32 v1, v3  }
0x63: {  	v4 =	vadd.f32 v4, v16;
	v2 =	vadd.f32 v8, v5;
	_ =	sdelay $0x1  }
0x64: {  	v0 =	vadd.f32 v0, v1;
	v2 =	vadd.f32 v4, v2;
	_ =	sdelay $0x1  }
0x65: {  	v0 =	vadd.f32 v2, v0  }
0x66: {  	s10 =	simm.s32 $0x0  }
0x67: {  	[tilespmem:s10+$0x4510] =	vst v0  }
0x68: {  	v1 =	vld [tilespmem:s16+$0x0]  }
0x69: {  	v2 =	vld [tilespmem:s16+$0x10]  }
0x6a: {  	v8 =	vld [tilespmem:s16+$0x20]  }
0x6b: {  	v3 =	vld [tilespmem:s16+$0xD0]  }
0x6c: {  	v9 =	vld [tilespmem:s16+$0x40]  }
0x6d: {  	v10 =	vld [tilespmem:s16+$0x50]  }
0x6e: {  	v11 =	vld [tilespmem:s16+$0xC0]  }
0x6f: {  	v0 =	vld [tilespmem:s16+$0x90]  }
0x70: {  	v63 =	vld [tilespmem:s16+$0x30]  }
0x71: {  	v4 =	vld [tilespmem:s16+$0xA0]  }
0x72: {  	v6 =	vld [tilespmem:s16+$0xB0]  }
0x73: {  	v5 =	vld [tilespmem:s16+$0xF0]  }
0x74: {  	v7 =	vld [tilespmem:s16+$0x60]  }
0x75: {  	v1 =	vadd.f32 v2, v1;
	v2 =	vadd.f32 v10, v9;
	v9 =	vld [tilespmem:s16+$0x70]  }
0x76: {  	s17 =	simm.s32 $0x80;
	s15 =	sor.u32 $0x1, s6;
	s8 =	simm.s32 $0x550;
	v3 =	vadd.f32 v3, v11;
	v8 =	vadd.f32 v63, v8;
	v10 =	vld [tilespmem:s16+$0xE0]  }
.LBB2_3:
0x77: {  	p1 =	sne.s32 s17, $0x600  }
0x78: {  	v11 =	vld [tilespmem:s16+$0x80];
	s8 =	sadd.s32 $0x280, s8;
	s30 =	smov.u32 s17;
	s17 =	sadd.s32 $0x80, s17  }
0x79: {  	v12 =	vld [tilespmem:s16+$0x130]  }
0x7a: {  	v13 =	vld [tilespmem:s16+$0x120]  }
0x7b: {  	v4 =	vadd.f32 v6, v4;
	v14 =	vld [tilespmem:s16+$0x110];
	v7 =	vadd.f32 v9, v7  }
0x7c: {  	v1 =	vadd.f32 v8, v1;
	v6 =	vld [tilespmem:s16+$0x100];
	v5 =	vadd.f32 v5, v10;
	s16 =	smov.u32 s8  }
0x7d: {  	v0 =	vadd.f32 v0, v11;
	v2 =	vadd.f32 v7, v2  }
0x7e: {  	v3 =	vadd.f32 v5, v3  }
0x7f: {  	v0 =	vadd.f32 v4, v0;
	v1 =	vadd.f32 v2, v1  }
0x80: {  	v2 =	vadd.f32 v12, v13  }
0x81: {  	v4 =	vadd.f32 v14, v6;
	v0 =	vadd.f32 v3, v0;
	_ =	sdelay $0x1  }
0x82: {  	v2 =	vadd.f32 v2, v4;
	v0 =	vadd.f32 v0, v1;
	_ =	sdelay $0x1  }
0x83: {  	v0 =	vadd.f32 v2, v0;
	_ =	sdelay $0x1  }
0x84: {  	[tilespmem:s10+$0x4520] =	vst v0  }
0x85: {  	v0 =	vld [tilespmem:s8+$0xFFFFFF90]  }
0x86: {  	v1 =	vld [tilespmem:s8+$0xFFFFFFB0]  }
0x87: {  	v2 =	vld [tilespmem:s8+$0xFFFFFF60]  }
0x88: {  	v3 =	vld [tilespmem:s8+$0xFFFFFF50]  }
0x89: {  	v4 =	vld [tilespmem:s8+$0xFFFFFF70]  }
0x8a: {  	v5 =	vld [tilespmem:s8+$0xFFFFFF80]  }
0x8b: {  	v6 =	vld [tilespmem:s8+$0xFFFFFFA0]  }
0x8c: {  	v7 =	vld [tilespmem:s8+$0xFFFFFEC0]  }
0x8d: {  	v8 =	vld [tilespmem:s8+$0xFFFFFF40]  }
0x8e: {  	v9 =	vld [tilespmem:s8+$0xFFFFFF30]  }
0x8f: {  	v10 =	vld [tilespmem:s8+$0xFFFFFF20]  }
0x90: {  	v2 =	vadd.f32 v4, v2;
	v11 =	vld [tilespmem:s8+$0xFFFFFF10];
	v1 =	vadd.f32 v1, v6  }
0x91: {  	v4 =	vld [tilespmem:s8+$0xFFFFFF00]  }
0x92: {  	v6 =	vld [tilespmem:s8+$0xFFFFFEF0];
	v3 =	vadd.f32 v3, v8  }
0x93: {  	v8 =	vld [tilespmem:s8+$0xFFFFFEE0]  }
0x94: {  	v12 =	vld [tilespmem:s8+$0xFFFFFED0];
	v9 =	vadd.f32 v9, v10;
	v2 =	vadd.f32 v2, v3  }
0x95: {  	v3 =	vld [tilespmem:s8+$0xFFFFFFE0]  }
0x96: {  	v10 =	vld [tilespmem:s8+$0xFFFFFFF0];
	v4 =	vadd.f32 v11, v4  }
0x97: {  	v0 =	vadd.f32 v0, v5;
	v11 =	vld [tilespmem:s8+$0xFFFFFFD0]  }
0x98: {  	v5 =	vld [tilespmem:s8+$0xFFFFFFC0];
	v6 =	vadd.f32 v6, v8;
	v4 =	vadd.f32 v9, v4  }
0x99: {  	v7 =	vadd.f32 v12, v7  }
0x9a: {  	v0 =	vadd.f32 v1, v0  }
0x9b: {  	v1 =	vadd.f32 v6, v7  }
0x9c: {  	v0 =	vadd.f32 v0, v2;
	v3 =	vadd.f32 v10, v3  }
0x9d: {  	v2 =	vadd.f32 v11, v5;
	v1 =	vadd.f32 v4, v1;
	_ =	sdelay $0x1  }
0x9e: {  	v2 =	vadd.f32 v3, v2;
	v0 =	vadd.f32 v0, v1;
	_ =	sdelay $0x1  }
0x9f: {  	v0 =	vadd.f32 v2, v0  }
0xa0: {  	s10 =	sshra.s32 s30, $0x2  }
0xa1: {  	[tilespmem:s10+$0x4510] =	vst v0  }
0xa2: {  	v0 =	vld [tilespmem:s8+$0x0]  }
0xa3: {  	v1 =	vld [tilespmem:s8+$0x10]  }
0xa4: {  	v8 =	vld [tilespmem:s8+$0x20]  }
0xa5: {  	v3 =	vld [tilespmem:s8+$0xD0]  }
0xa6: {  	v2 =	vld [tilespmem:s8+$0x40]  }
0xa7: {  	v5 =	vld [tilespmem:s8+$0x50]  }
0xa8: {  	v7 =	vld [tilespmem:s8+$0xC0];
	v1 =	vadd.f32 v1, v0  }
0xa9: {  	v0 =	vld [tilespmem:s8+$0x90]  }
0xaa: {  	v10 =	vld [tilespmem:s8+$0x30]  }
0xab: {  	v4 =	vld [tilespmem:s8+$0xA0]  }
.Ltmp0:
0xac: {  	v6 =	vld [tilespmem:s8+$0xB0];
	v2 =	vadd.f32 v5, v2;
	(pc) =	sbr.rel @p1 .LBB2_3-.Ltmp0, $4  }
0xad: {  	v5 =	vld [tilespmem:s8+$0xF0];
	v3 =	vadd.f32 v3, v7  }
0xae: {  	v7 =	vld [tilespmem:s8+$0x60]  }
0xaf: {  	v9 =	vld [tilespmem:s8+$0x70];
	v8 =	vadd.f32 v10, v8  }
0xb0: {  	v10 =	vld [tilespmem:s8+$0xE0]  }
0xb1: {  	v11 =	vld [tilespmem:s16+$0x80]  }
0xb2: {  	v12 =	vld [tilespmem:s16+$0x130]  }
0xb3: {  	v13 =	vld [tilespmem:s16+$0x120]  }
0xb4: {  	v14 =	vld [tilespmem:s16+$0x110]  }
0xb5: {  	v4 =	vadd.f32 v6, v4;
	v6 =	vld [tilespmem:s16+$0x100];
	v7 =	vadd.f32 v9, v7  }
0xb6: {  	v5 =	vadd.f32 v5, v10;
	v0 =	vadd.f32 v0, v11  }
0xb7: {  	v1 =	vadd.f32 v8, v1;
	v2 =	vadd.f32 v7, v2  }
0xb8: {  	v3 =	vadd.f32 v5, v3;
	v0 =	vadd.f32 v4, v0  }
0xb9: {  	v1 =	vadd.f32 v2, v1;
	v2 =	vadd.f32 v12, v13  }
0xba: {  	v4 =	vadd.f32 v14, v6;
	v0 =	vadd.f32 v3, v0;
	_ =	sdelay $0x1  }
0xbb: {  	v2 =	vadd.f32 v2, v4;
	v0 =	vadd.f32 v0, v1  }
0xbc: {  	s8 =	sadd.s32 s7, s6  }
0xbd: {  	s8 =	smul.u32 $0x34, s8;
	v0 =	vadd.f32 v2, v0;
	_ =	sdelay $0x1  }
0xbe: {  	s8 =	sadd.s32 s5, s8;
	[tilespmem:s10+$0x4520] =	vst v0  }
0xbf: {  	[hbm4b:s8+s3] =	stream.linear.scatter [tilespmem:s24], [sflag:$0x5], $0x1A0, $0x38;
	[tilespmem:$0x1CEF0] =	vst v63  }
0xc0: {  	_ =	swait.ge [sflag:s25], $0x680  }
0xc1: {  	[sflag:s25] =	ssyncset.done $0x0  }
0xc2: {  	[sflag:s25] =	ssyncadd.s32 $0xFFFFF980  }
0xc3: {  	_ =	swait.ge [sflag:s25], $0x680  }
0xc4: {  	[sflag:s25] =	ssyncset.done $0x0  }
0xc5: {  	[sflag:s25] =	ssyncadd.s32 $0xFFFFF980  }
0xc6: {  	_ =	swait.ge [sflag:s25], $0x680  }
0xc7: {  	[sflag:s25] =	ssyncset.done $0x0  }
0xc8: {  	[sflag:s25] =	ssyncadd.s32 $0xFFFFF980  }
0xc9: {  	_ =	swait.ge [sflag:s25], $0x680  }
0xca: {  	s6 =	sadd.s32 @!p0 s6, s12;
	[sflag:s25] =	ssyncset.done $0x0  }
0xcb: {  	s6 =	smul.u32 @!p0 $0x41, s6;
	[sflag:s25] =	ssyncadd.s32 $0xFFFFF980  }
0xcc: {  	_ =	swait.ge [sflag:s25], $0x680  }
0xcd: {  	s6 =	sadd.s32 @!p0 s4, s6;
	[sflag:s25] =	ssyncset.done $0x0  }
0xce: {  	s10 =	simm.s32 @!p0 $0x208;
	s8 =	simm.s32 @!p0 $0x0;
	[sflag:s25] =	ssyncadd.s32 $0xFFFFF980  }
0xcf: {  	[tilespmem:s10], [sflag:$0x4] =	stream.linear.gather @!p0 [hbm4b:s6+s8], $0x208, $0x38;
	[tilespmem:$0x1CEF0] =	vst v63  }
0xd0: {  	s6 =	simm.s32 @!p0 $0x3  }
0xd1: {  	_ =	swait.ge @!p0 [sflag:s6], $0x208  }
0xd2: {  	[sflag:s6] =	ssyncset.done @!p0 $0x0  }
0xd3: {  	s10 =	simm.s32 @!p0 $0x410;
	[sflag:s6] =	ssyncadd.s32 @!p0 $0xFFFFFDF8;
	s6 =	simm.s32 @!p0 $0x68  }
0xd4: {  	[tilespmem:s10], [sflag:$0x1] =	stream.indirect.gather @!p0 [spmem:s2], $0x10, s8, s6, $0xb8;
	[tilespmem:$0x1CEF0] =	vst v63  }
0xd5: {  	s8 =	simm.s32 @!p0 $0xA90  }
0xd6: {  	[tilespmem:s8], [sflag:$0x1] =	stream.indirect.gather @!p0 [spmem:s2], $0x10, s6, s6, $0xb8;
	[tilespmem:$0x1CEF0] =	vst v63  }
0xd7: {  	s10 =	simm.s32 @!p0 $0x1110;
	s8 =	simm.s32 @!p0 $0xD0  }
0xd8: {  	[tilespmem:s10], [sflag:$0x1] =	stream.indirect.gather @!p0 [spmem:s2], $0x10, s8, s6, $0xb8;
	[tilespmem:$0x1CEF0] =	vst v63  }
0xd9: {  	s8 =	simm.s32 @!p0 $0x138;
	s10 =	simm.s32 @!p0 $0x1790  }
0xda: {  	[tilespmem:s10], [sflag:$0x1] =	stream.indirect.gather @!p0 [spmem:s2], $0x10, s8, s6, $0xb8;
	[tilespmem:$0x1CEF0] =	vst v63  }
0xdb: {  	p1 =	seq.s32 @!p0 s13, $0x0;
	s8 =	simm.s32 @!p0 $0x1A0;
	s10 =	simm.s32 @!p0 $0x1E10  }
0xdc: {  	[tilespmem:s10], [sflag:$0x1] =	stream.indirect.gather @!p0 [spmem:s2], $0x10, s8, s6, $0xb8;
	[tilespmem:$0x1CEF0] =	vst v63  }
0xdd: {  	p0 =	por p0, !p1  }
0xde: {  	_ =	swait.ge @p0 [sflag:s9], $0x1A0  }
0xdf: {  	[sflag:s9] =	ssyncset.done @p0 $0x0  }
0xe0: {  	s6 =	simm.s32 $0x25D0;
	[sflag:s9] =	ssyncadd.s32 @p0 $0xFFFFFE60  }
0xe1: {  	v0 =	vld [tilespmem:s6+$0xFFFFFF90]  }
0xe2: {  	v1 =	vld [tilespmem:s6+$0xFFFFFFB0]  }
0xe3: {  	v2 =	vld [tilespmem:s6+$0xFFFFFF60]  }
0xe4: {  	v3 =	vld [tilespmem:s6+$0xFFFFFF50]  }
0xe5: {  	v4 =	vld [tilespmem:s6+$0xFFFFFF70]  }
0xe6: {  	v5 =	vld [tilespmem:s6+$0xFFFFFF80]  }
0xe7: {  	v6 =	vld [tilespmem:s6+$0xFFFFFFA0]  }
0xe8: {  	v7 =	vld [tilespmem:s6+$0xFFFFFEC0]  }
0xe9: {  	v8 =	vld [tilespmem:s6+$0xFFFFFF40]  }
0xea: {  	v9 =	vld [tilespmem:s6+$0xFFFFFF30]  }
0xeb: {  	v10 =	vld [tilespmem:s6+$0xFFFFFF20]  }
0xec: {  	v11 =	vld [tilespmem:s6+$0xFFFFFF10]  }
0xed: {  	v60 =	vld [tilespmem:s6+$0xFFFFFF00]  }
0xee: {  	v61 =	vld [tilespmem:s6+$0xFFFFFEF0]  }
0xef: {  	v62 =	vld [tilespmem:s6+$0xFFFFFEE0]  }
0xf0: {  	v15 =	vld [tilespmem:s6+$0xFFFFFED0];
	_ =	sdelay $0x1  }
0xf1: {  	v16 =	vld [tilespmem:s6+$0xFFFFFFE0];
	v2 =	vadd.f32 v4, v2;
	v1 =	vadd.f32 v1, v6  }
0xf2: {  	v4 =	vld [tilespmem:s6+$0xFFFFFFF0];
	v3 =	vadd.f32 v3, v8;
	v6 =	vadd.f32 v9, v10  }
0xf3: {  	v8 =	vld [tilespmem:s6+$0xFFFFFFD0];
	v9 =	vadd.f32 v11, v60;
	v0 =	vadd.f32 v0, v5  }
0xf4: {  	v5 =	vld [tilespmem:s6+$0xFFFFFFC0];
	v10 =	vadd.f32 v61, v62;
	v7 =	vadd.f32 v15, v7  }
0xf5: {  	v2 =	vadd.f32 v2, v3;
	v0 =	vadd.f32 v1, v0  }
0xf6: {  	v1 =	vadd.f32 v6, v9;
	v3 =	vadd.f32 v10, v7;
	_ =	sdelay $0x1  }
0xf7: {  	v0 =	vadd.f32 v0, v2;
	v1 =	vadd.f32 v1, v3  }
0xf8: {  	v4 =	vadd.f32 v4, v16;
	v2 =	vadd.f32 v8, v5;
	_ =	sdelay $0x1  }
0xf9: {  	v0 =	vadd.f32 v0, v1;
	v2 =	vadd.f32 v4, v2;
	_ =	sdelay $0x1  }
0xfa: {  	v0 =	vadd.f32 v2, v0  }
0xfb: {  	s10 =	simm.s32 $0x0  }
0xfc: {  	[tilespmem:s10+$0x46B0] =	vst v0  }
0xfd: {  	v1 =	vld [tilespmem:s6+$0x0]  }
0xfe: {  	v2 =	vld [tilespmem:s6+$0x10]  }
0xff: {  	v7 =	vld [tilespmem:s6+$0x20]  }
0x100: {  	v3 =	vld [tilespmem:s6+$0xD0]  }
0x101: {  	v9 =	vld [tilespmem:s6+$0x40]  }
0x102: {  	v10 =	vld [tilespmem:s6+$0x50]  }
0x103: {  	v11 =	vld [tilespmem:s6+$0xC0]  }
0x104: {  	v0 =	vld [tilespmem:s6+$0x90]  }
0x105: {  	v63 =	vld [tilespmem:s6+$0x30]  }
0x106: {  	v4 =	vld [tilespmem:s6+$0xA0]  }
0x107: {  	v6 =	vld [tilespmem:s6+$0xB0]  }
0x108: {  	v5 =	vld [tilespmem:s6+$0xF0]  }
0x109: {  	v8 =	vld [tilespmem:s6+$0x60]  }
0x10a: {  	v1 =	vadd.f32 v2, v1;
	v2 =	vadd.f32 v10, v9;
	v9 =	vld [tilespmem:s6+$0x70]  }
0x10b: {  	s16 =	simm.s32 $0x80;
	s8 =	simm.s32 $0x25D0;
	v3 =	vadd.f32 v3, v11;
	v7 =	vadd.f32 v63, v7;
	v10 =	vld [tilespmem:s6+$0xE0]  }
.LBB2_5:
0x10c: {  	p0 =	sne.s32 s16, $0x600  }
0x10d: {  	v11 =	vld [tilespmem:s6+$0x80];
	s8 =	sadd.s32 $0x280, s8;
	s17 =	smov.u32 s16;
	s16 =	sadd.s32 $0x80, s16  }
0x10e: {  	v12 =	vld [tilespmem:s6+$0x130]  }
0x10f: {  	v13 =	vld [tilespmem:s6+$0x120]  }
0x110: {  	v4 =	vadd.f32 v6, v4;
	v14 =	vld [tilespmem:s6+$0x110];
	v8 =	vadd.f32 v9, v8  }
0x111: {  	v1 =	vadd.f32 v7, v1;
	v6 =	vld [tilespmem:s6+$0x100];
	v5 =	vadd.f32 v5, v10;
	s6 =	smov.u32 s8  }
0x112: {  	v0 =	vadd.f32 v0, v11;
	v2 =	vadd.f32 v8, v2  }
0x113: {  	v3 =	vadd.f32 v5, v3  }
0x114: {  	v0 =	vadd.f32 v4, v0;
	v1 =	vadd.f32 v2, v1  }
0x115: {  	v2 =	vadd.f32 v12, v13  }
0x116: {  	v4 =	vadd.f32 v14, v6;
	v0 =	vadd.f32 v3, v0;
	_ =	sdelay $0x1  }
0x117: {  	v2 =	vadd.f32 v2, v4;
	v0 =	vadd.f32 v0, v1;
	_ =	sdelay $0x1  }
0x118: {  	v0 =	vadd.f32 v2, v0;
	_ =	sdelay $0x1  }
0x119: {  	[tilespmem:s10+$0x46C0] =	vst v0  }
0x11a: {  	v0 =	vld [tilespmem:s8+$0xFFFFFF90]  }
0x11b: {  	v1 =	vld [tilespmem:s8+$0xFFFFFFB0]  }
0x11c: {  	v2 =	vld [tilespmem:s8+$0xFFFFFF60]  }
0x11d: {  	v3 =	vld [tilespmem:s8+$0xFFFFFF50]  }
0x11e: {  	v4 =	vld [tilespmem:s8+$0xFFFFFF70]  }
0x11f: {  	v5 =	vld [tilespmem:s8+$0xFFFFFF80]  }
0x120: {  	v6 =	vld [tilespmem:s8+$0xFFFFFFA0]  }
0x121: {  	v7 =	vld [tilespmem:s8+$0xFFFFFEC0]  }
0x122: {  	v8 =	vld [tilespmem:s8+$0xFFFFFF40]  }
0x123: {  	v9 =	vld [tilespmem:s8+$0xFFFFFF30]  }
0x124: {  	v10 =	vld [tilespmem:s8+$0xFFFFFF20]  }
0x125: {  	v2 =	vadd.f32 v4, v2;
	v11 =	vld [tilespmem:s8+$0xFFFFFF10];
	v1 =	vadd.f32 v1, v6  }
0x126: {  	v4 =	vld [tilespmem:s8+$0xFFFFFF00]  }
0x127: {  	v6 =	vld [tilespmem:s8+$0xFFFFFEF0];
	v3 =	vadd.f32 v3, v8  }
0x128: {  	v8 =	vld [tilespmem:s8+$0xFFFFFEE0]  }
0x129: {  	v12 =	vld [tilespmem:s8+$0xFFFFFED0];
	v9 =	vadd.f32 v9, v10;
	v2 =	vadd.f32 v2, v3  }
0x12a: {  	v3 =	vld [tilespmem:s8+$0xFFFFFFE0]  }
0x12b: {  	v10 =	vld [tilespmem:s8+$0xFFFFFFF0];
	v4 =	vadd.f32 v11, v4  }
0x12c: {  	v0 =	vadd.f32 v0, v5;
	v11 =	vld [tilespmem:s8+$0xFFFFFFD0]  }
0x12d: {  	v5 =	vld [tilespmem:s8+$0xFFFFFFC0];
	v6 =	vadd.f32 v6, v8;
	v4 =	vadd.f32 v9, v4  }
0x12e: {  	v7 =	vadd.f32 v12, v7  }
0x12f: {  	v0 =	vadd.f32 v1, v0  }
0x130: {  	v1 =	vadd.f32 v6, v7  }
0x131: {  	v0 =	vadd.f32 v0, v2;
	v3 =	vadd.f32 v10, v3  }
0x132: {  	v2 =	vadd.f32 v11, v5;
	v1 =	vadd.f32 v4, v1;
	_ =	sdelay $0x1  }
0x133: {  	v2 =	vadd.f32 v3, v2;
	v0 =	vadd.f32 v0, v1;
	_ =	sdelay $0x1  }
0x134: {  	v0 =	vadd.f32 v2, v0  }
0x135: {  	s10 =	sshra.s32 s17, $0x2  }
0x136: {  	[tilespmem:s10+$0x46B0] =	vst v0  }
0x137: {  	v0 =	vld [tilespmem:s8+$0x0]  }
0x138: {  	v1 =	vld [tilespmem:s8+$0x10]  }
0x139: {  	v7 =	vld [tilespmem:s8+$0x20]  }
0x13a: {  	v3 =	vld [tilespmem:s8+$0xD0]  }
0x13b: {  	v2 =	vld [tilespmem:s8+$0x40]  }
0x13c: {  	v5 =	vld [tilespmem:s8+$0x50]  }
0x13d: {  	v8 =	vld [tilespmem:s8+$0xC0];
	v1 =	vadd.f32 v1, v0  }
0x13e: {  	v0 =	vld [tilespmem:s8+$0x90]  }
0x13f: {  	v10 =	vld [tilespmem:s8+$0x30]  }
0x140: {  	v4 =	vld [tilespmem:s8+$0xA0]  }
.Ltmp1:
0x141: {  	v6 =	vld [tilespmem:s8+$0xB0];
	v2 =	vadd.f32 v5, v2;
	(pc) =	sbr.rel @p0 .LBB2_5-.Ltmp1, $4  }
0x142: {  	v5 =	vld [tilespmem:s8+$0xF0];
	v3 =	vadd.f32 v3, v8  }
0x143: {  	v8 =	vld [tilespmem:s8+$0x60]  }
0x144: {  	v9 =	vld [tilespmem:s8+$0x70];
	v7 =	vadd.f32 v10, v7  }
0x145: {  	v10 =	vld [tilespmem:s8+$0xE0]  }
0x146: {  	v11 =	vld [tilespmem:s6+$0x80]  }
0x147: {  	v12 =	vld [tilespmem:s6+$0x130]  }
0x148: {  	v13 =	vld [tilespmem:s6+$0x120]  }
0x149: {  	v14 =	vld [tilespmem:s6+$0x110]  }
0x14a: {  	v61 =	vld [tilespmem:s6+$0x100]  }
0x14b: {  	v4 =	vadd.f32 v6, v4;
	v8 =	vadd.f32 v9, v8  }
0x14c: {  	v5 =	vadd.f32 v5, v10;
	v0 =	vadd.f32 v0, v11  }
0x14d: {  	v1 =	vadd.f32 v7, v1;
	v2 =	vadd.f32 v8, v2  }
0x14e: {  	v3 =	vadd.f32 v5, v3;
	v0 =	vadd.f32 v4, v0  }
0x14f: {  	v62 =	vadd.f32 v12, v13;
	v63 =	vadd.f32 v14, v61  }
0x150: {  	v1 =	vadd.f32 v2, v1;
	v0 =	vadd.f32 v3, v0  }
0x151: {  	s13 =	sadd.s32 $0x1, s13  }
0x152: {  	p0 =	sne.s32 s13, $0x40;
	v2 =	vadd.f32 v62, v63;
	v0 =	vadd.f32 v0, v1  }
.Ltmp2:
0x153: {  	s30 =	sadd.s32 s7, s15;
	(pc) =	sbr.rel @p0 .LBB2_2-.Ltmp2, $3  }
0x154: {  	s6 =	smul.u32 $0x34, s30;
	v0 =	vadd.f32 v2, v0;
	_ =	sdelay $0x1  }
0x155: {  	s6 =	sadd.s32 s5, s6;
	[tilespmem:s10+$0x46C0] =	vst v0  }
0x156: {  	[hbm4b:s6+s3] =	stream.linear.scatter [tilespmem:s26], [sflag:$0x6], $0x1A0, $0x38;
	[tilespmem:$0x1CEF0] =	vst v63  }
0x157: {  	s6 =	simm.s32 $0x5  }
0x158: {  	_ =	swait.ge [sflag:s6], $0x1A0  }
0x159: {  	[sflag:s6] =	ssyncset.done $0x0  }
0x15a: {  	[sflag:s6] =	ssyncadd.s32 $0xFFFFFE60  }
0x15b: {  	_ =	swait.ge [sflag:s9], $0x1A0  }
0x15c: {  	s8 =	rddreg [dreg:$0x9]  }
0x15d: {  	s30 =	rddreg [dreg:$0x7];
	s8 =	sadd.s32 $0x1, s8  }
0x15e: {  	p0 =	sne.s32 s8, s30  }
.Ltmp3:
0x15f: {  	_ = 	snop;
	(pc) =	sbr.rel @p0 .LBB2_1-.Ltmp3, $3  }
0x160: {  	_ =	sdelay $0x1  }
0x161: {  	[sflag:s9] =	ssyncset.done $0x0  }
0x162: {  	[sflag:s9] =	ssyncadd.s32 $0xFFFFFE60  }
0x163: {  	_ =	sfence.sel $0x180000  }
0x164: {  	[bflag:$0x0] =	sbarrier.arrive $0xFFFF  }
0x165: {  	_ =	strace $0x90000047  }
0x166: {  	s0 =	stileid.u32;
	[bflag:$0x2] =	sbarrier.arrive $0xFFFF  }
0x167: {  	p0 =	sne.s32 s0, $0x0;
	s0 =	rddreg [dreg:$0x2]  }
0x168: {  	s0 =	sadd.s32 @!p0 $0x100000, s0  }
0x169: {  	[sflag:s0] =	ssyncadd.tile.s32 @!p0 $0x1;
	_ =	shalt  }
.Lfunc_end2:
_tile_overlayer_lowered:
.L_overlay_start_2:
0x16a: {  	(tag) =	ssettag $0x2  }
0x16b: {  	s0 =	rddreg [dreg:$0x0];
	s2 =	stileid.u32  }
0x16c: {  	s1 =	rddreg [dreg:$0x1];
	p0 =	sne.s32 s2, $0x0  }
0x16d: {  	s3 =	rddreg [dreg:$0x2];
	[bflag:$0x3] =	sbarrier.arrive $0xFFFF;
	s2 =	simm.s32 @!p0 $0x1C07  }
0x16e: {  	[timem:s3], [sflag:s2] =	dma.local @!p0 [hbm:s0], s1  }
0x16f: {  	s0 =	simm.s32 @!p0 $0x7  }
0x170: {  	_ =	swait.ge @!p0 [sflag:s0], s1  }
0x171: {  	s1 =	ssub.s32 @!p0 $0x0, s1;
	[sflag:s0] =	ssyncset.done @!p0 $0x0  }
0x172: {  	[sflag:s0] =	ssyncadd.s32 @!p0 s1  }
0x173: {  	[bflag:$0x3] =	sbarrier.arrive $0xFFFF  }
0x174: {  	_ =	shalt  }

</sc_bundles>
